<compile_context>
chip_gen: v7x
topology: tpu7x:2x2x1
jax: 0.10.2.dev20260603
libtpu: 0.0.44.dev20260713+nightly
codegen_flags: <defaults>
</compile_context>

<pallas_src>
import functools

import jax
import jax.numpy as jnp
from jax import lax
from jax.experimental import pallas as pl
from jax.experimental.pallas import tpu as pltpu
from jax.experimental.pallas import tpu_sc as plsc

_NC, _NS = 2, 16
_NW = _NC * _NS
_CHUNK = 128


def _make_sc_gather(width, n_idx, nbuf, chunk=_CHUNK):
    per_w = n_idx // _NW
    n_chunks = per_w // chunk
    assert per_w % chunk == 0 and n_chunks % nbuf == 0
    ng = n_chunks // nbuf
    mesh = plsc.VectorSubcoreMesh(
        core_axis_name="c", subcore_axis_name="s",
        num_cores=_NC, num_subcores=_NS)

    @functools.partial(
        pl.kernel,
        out_type=jax.ShapeDtypeStruct((n_idx, width), jnp.float32),
        mesh=mesh,
        scratch_types=[
            pltpu.VMEM((per_w,), jnp.int32),
            pltpu.VMEM((nbuf, chunk, width), jnp.float32),
        ] + [pltpu.SemaphoreType.DMA] * (2 * nbuf),
    )
    def gather_k(table_hbm, idx_hbm, out_hbm, idx_all, rows_v, *sems):
        sg, ss = sems[:nbuf], sems[nbuf:]
        wid = lax.axis_index("s") * _NC + lax.axis_index("c")
        base = wid * per_w
        pltpu.sync_copy(idx_hbm.at[pl.ds(base, per_w)], idx_all)

        def g_desc(c, b):
            return pltpu.make_async_copy(
                table_hbm.at[idx_all.at[pl.ds(c * chunk, chunk)]],
                rows_v.at[b], sg[b])

        def s_desc(c, b):
            return pltpu.make_async_copy(
                rows_v.at[b], out_hbm.at[pl.ds(base + c * chunk, chunk)],
                ss[b])

        for b in range(nbuf):
            g_desc(b, b).start()

        def body(g, carry):
            for b in range(nbuf):
                c = g * nbuf + b
                g_desc(c, b).wait()
                s_desc(c, b).start()
            for b in range(nbuf):
                c = (g + 1) * nbuf + b

                @pl.when(c < n_chunks)
                def _():
                    s_desc(c - nbuf, b).wait()
                    g_desc(c, b).start()

            return carry

        lax.fori_loop(0, ng, body, 0)
        for b in range(nbuf):
            s_desc(n_chunks - nbuf + b, b).wait()

    return gather_k


def _stage1(eg, e_pad, w1, b1, w2, b2, n_block, k_nei):
    n_pad, d = e_pad.shape
    h_dim = w1.shape[1]
    grid = n_pad // n_block

    def body(eg_ref, e_ref, w1_ref, b1_ref, w2_ref, b2_ref, out_ref):
        eg2 = eg_ref[...].astype(jnp.float32)
        e = e_ref[...]
        w1v = w1_ref[...]
        sp = jnp.dot(e, w1v[d:, :], preferred_element_type=jnp.float32)
        sp = sp + b1_ref[...]
        hp = jnp.dot(eg2, w1v[:d, :], preferred_element_type=jnp.float32)
        h3 = jnp.maximum(hp.reshape(n_block, k_nei, h_dim) + sp[:, None, :], 0.0)
        fs = jnp.sum(h3 * w2_ref[...].reshape(1, 1, h_dim), axis=-1)
        fs = fs + b2_ref[...]
        fw = jax.nn.softmax(fs, axis=-1)
        eg3 = eg2.reshape(n_block, k_nei, d)
        out_ref[...] = jnp.sum(fw[:, :, None] * eg3, axis=1) + e

    return pl.pallas_call(
        body,
        grid=(grid,),
        in_specs=[
            pl.BlockSpec((n_block * k_nei, d), lambda i: (i, 0)),
            pl.BlockSpec((n_block, d), lambda i: (i, 0)),
            pl.BlockSpec((2 * d, h_dim), lambda i: (0, 0)),
            pl.BlockSpec((1, h_dim), lambda i: (0, 0)),
            pl.BlockSpec((1, h_dim), lambda i: (0, 0)),
            pl.BlockSpec((1, 1), lambda i: (0, 0)),
        ],
        out_specs=pl.BlockSpec((n_block, d), lambda i: (i, 0)),
        out_shape=jax.ShapeDtypeStruct((n_pad, d), jnp.float32),
    )(eg, e_pad, w1, b1, w2, b2)


def _stage2(mem3, team_e, repo_row, repo_col, w1, b1, w2, b2,
            pw1, pb1, pw2, pb2):
    t_pad, m_mem, d = mem3.shape
    h_dim = w1.shape[1]

    def body(mem_ref, team_ref, rr_ref, rc_ref, w1_ref, b1_ref, w2_ref,
             b2_ref, pw1_ref, pb1_ref, pw2_ref, pb2_ref, out_ref):
        mem = mem_ref[...].astype(jnp.float32)
        w1v = w1_ref[...]
        rr = rr_ref[...]
        r1 = jnp.dot(rr, w1v[d:, :], preferred_element_type=jnp.float32)
        r1 = r1 + b1_ref[...]
        hp = jnp.dot(mem.reshape(t_pad * m_mem, d), w1v[:d, :],
                     preferred_element_type=jnp.float32)
        h3 = jnp.maximum(hp.reshape(t_pad, m_mem, h_dim)
                         + r1.reshape(1, 1, h_dim), 0.0)
        gs = jnp.sum(h3 * w2_ref[...].reshape(1, 1, h_dim), axis=-1)
        gs = gs + b2_ref[...]
        gw = jax.nn.softmax(gs, axis=-1)
        grp = jnp.sum(gw[:, :, None] * mem, axis=1) + team_ref[...]
        pw1v = pw1_ref[...]
        weff = pw1v[:d, :] * rc_ref[...] + pw1v[d:2 * d, :]
        beff = pb1_ref[...] + jnp.dot(rr, pw1v[2 * d:, :],
                                      preferred_element_type=jnp.float32)
        hh = jnp.maximum(
            jnp.dot(grp, weff, preferred_element_type=jnp.float32) + beff, 0.0)
        logit = jnp.sum(hh * pw2_ref[...], axis=-1, keepdims=True) + pb2_ref[...]
        out_ref[...] = jax.nn.sigmoid(logit)

    return pl.pallas_call(
        body,
        out_shape=jax.ShapeDtypeStruct((t_pad, 1), jnp.float32),
    )(mem3, team_e, repo_row, repo_col, w1, b1, w2, b2, pw1, pb1, pw2, pb2)


def kernel(repo_embed, team_embeds, user_embeds, team_members, user_neighbors,
           fa_W1, fa_b1, fa_W2, fa_b2, at_W1, at_b1, at_W2, at_b2,
           pr_W1, pr_b1, pr_W2, pr_b2):
    n_users, d = user_embeds.shape
    k_nei = user_neighbors.shape[1]
    n_teams, m_mem = team_members.shape
    h_dim = fa_W1.shape[1]

    align = (_NW * _CHUNK) // k_nei
    n_pad = ((n_users + align - 1) // align) * align
    t_align = (_NW * _CHUNK) // m_mem
    t_pad = ((n_teams + t_align - 1) // t_align) * t_align

    e_pad = jnp.pad(user_embeds, ((0, n_pad - n_users), (0, 0)))
    nei_idx = jnp.pad(user_neighbors.astype(jnp.int32),
                      ((0, n_pad - n_users), (0, 0))).reshape(-1)
    mem_idx = jnp.pad(team_members.astype(jnp.int32),
                      ((0, t_pad - n_teams), (0, 0))).reshape(-1)
    team_pad = jnp.pad(team_embeds, ((0, t_pad - n_teams), (0, 0)))

    eg = _make_sc_gather(d, n_pad * k_nei, nbuf=5)(e_pad, nei_idx)

    agg = _stage1(eg, e_pad, fa_W1, fa_b1.reshape(1, h_dim),
                  fa_W2.reshape(1, h_dim), fa_b2.reshape(1, 1),
                  n_block=256, k_nei=k_nei)

    mem_g = _make_sc_gather(d, t_pad * m_mem, nbuf=4)(agg, mem_idx)

    y_pad = _stage2(mem_g.reshape(t_pad, m_mem, d), team_pad,
                    repo_embed.reshape(1, d), repo_embed.reshape(d, 1),
                    at_W1, at_b1.reshape(1, h_dim), at_W2.reshape(1, h_dim),
                    at_b2.reshape(1, 1), pr_W1, pr_b1.reshape(1, h_dim),
                    pr_W2.reshape(1, h_dim), pr_b2.reshape(1, 1))
    return y_pad[:n_teams]

# --- scband reference (transcript-rebuilt; emitter-appended) ---
"""Pipeline reference for scband-so-agree-47021301956985 (READ-ONLY COPY).

The authoritative reference and input builder live on the scoring server;
editing this copy changes nothing except your own understanding.
"""

import jax, jax.numpy as jnp
import numpy as np

N_USERS = 10000
N_TEAMS = 1000
K_NEI = 16
K_MEM = 16
D = 128
H = 64


def _mlp(x, W1, b1, W2, b2):
    h = jax.nn.relu(jnp.dot(x, W1) + b1)
    return jnp.dot(h, W2) + b2


def setup_inputs(seed: int = 0):
    key = jax.random.key(seed)
    ks = jax.random.split(key, 11)
    s = 0.05
    return {
        "repo_embed": jax.random.normal(ks[0], (D,), jnp.float32),
        "team_embeds": jax.random.normal(ks[1], (N_TEAMS, D), jnp.float32),
        "user_embeds": jax.random.normal(ks[2], (N_USERS, D), jnp.float32),
        "team_members": jax.random.randint(ks[3], (N_TEAMS, K_MEM), 0, N_USERS),
        "user_neighbors": jax.random.randint(ks[4], (N_USERS, K_NEI), 0, N_USERS),
        "fa_W1": jax.random.normal(ks[5], (2 * D, H), jnp.float32) * s,
        "fa_b1": jnp.zeros((H,), jnp.float32),
        "fa_W2": jax.random.normal(ks[6], (H, 1), jnp.float32) * s,
        "fa_b2": jnp.zeros((1,), jnp.float32),
        "at_W1": jax.random.normal(ks[7], (2 * D, H), jnp.float32) * s,
        "at_b1": jnp.zeros((H,), jnp.float32),
        "at_W2": jax.random.normal(ks[8], (H, 1), jnp.float32) * s,
        "at_b2": jnp.zeros((1,), jnp.float32),
        "pr_W1": jax.random.normal(ks[9], (3 * D, H), jnp.float32) * s,
        "pr_b1": jnp.zeros((H,), jnp.float32),
        "pr_W2": jax.random.normal(ks[10], (H, 1), jnp.float32) * s,
        "pr_b2": jnp.zeros((1,), jnp.float32),
    }


def reference(repo_embed, team_embeds, user_embeds, team_members, user_neighbors, fa_W1, fa_b1, fa_W2, fa_b2, at_W1, at_b1, at_W2, at_b2, pr_W1, pr_b1, pr_W2, pr_b2):
    # user_aggregate: gather neighbor embeddings, attention over neighbors
    nei = jnp.take(user_embeds, user_neighbors, axis=0)  # [N, K, D]
    selfb = jnp.broadcast_to(user_embeds[:, None, :], nei.shape)
    fs = _mlp(jnp.concatenate([nei, selfb], axis=-1), fa_W1, fa_b1, fa_W2, fa_b2)[..., 0]  # [N, K]
    fw = jax.nn.softmax(fs, axis=1)
    user_agg = jnp.einsum('nk,nkd->nd', fw, nei) + user_embeds  # [N, D]
    # grp_forward: gather aggregated member embeddings per team, attention over members
    mem = jnp.take(user_agg, team_members, axis=0)  # [T, M, D]
    repob = jnp.broadcast_to(repo_embed[None, None, :], mem.shape)
    gs = _mlp(jnp.concatenate([mem, repob], axis=-1), at_W1, at_b1, at_W2, at_b2)[..., 0]  # [T, M]
    gw = jax.nn.softmax(gs, axis=1)
    grp = jnp.einsum('tm,tmd->td', gw, mem) + team_embeds  # [T, D]
    elem = grp * repo_embed[None, :]
    new = jnp.concatenate([elem, grp, jnp.broadcast_to(repo_embed[None, :], grp.shape)], axis=-1)  # [T, 3D]
    y = jax.nn.sigmoid(_mlp(new, pr_W1, pr_b1, pr_W2, pr_b2))  # [T, 1]
    return y

if __name__ == "__main__":
    import jax
    _d = setup_inputs()
    print(jax.jit(kernel)(*tuple(_d.values())))

</pallas_src>

<mosaic_0001>
#map = affine_map<(d0, d1) -> (0, 0)>
#map1 = affine_map<(d0, d1) -> (0)>
module attributes {stable_mosaic.version = 14 : i64} {
  func.func @gather_k(%arg0: i32, %arg1: i32, %arg2: memref<10240x128xf32, #tpu.memory_space<hbm>>, %arg3: memref<163840xi32, #tpu.memory_space<hbm>>, %arg4: memref<163840x128xf32, #tpu.memory_space<hbm>>, %arg5: memref<5120xi32, #tpu.memory_space<vmem>>, %arg6: memref<5x128x128xf32, #tpu.memory_space<vmem>>, %arg7: memref<!tpu.dma_semaphore, #tpu.memory_space<semaphore_mem>>, %arg8: memref<!tpu.dma_semaphore, #tpu.memory_space<semaphore_mem>>, %arg9: memref<!tpu.dma_semaphore, #tpu.memory_space<semaphore_mem>>, %arg10: memref<!tpu.dma_semaphore, #tpu.memory_space<semaphore_mem>>, %arg11: memref<!tpu.dma_semaphore, #tpu.memory_space<semaphore_mem>>, %arg12: memref<!tpu.dma_semaphore, #tpu.memory_space<semaphore_mem>>, %arg13: memref<!tpu.dma_semaphore, #tpu.memory_space<semaphore_mem>>, %arg14: memref<!tpu.dma_semaphore, #tpu.memory_space<semaphore_mem>>, %arg15: memref<!tpu.dma_semaphore, #tpu.memory_space<semaphore_mem>>, %arg16: memref<!tpu.dma_semaphore, #tpu.memory_space<semaphore_mem>>) attributes {dimension_semantics = [#tpu.dimension_semantics<core_parallel>, #tpu.dimension_semantics<subcore_parallel>], iteration_bounds = array<i64: 2, 16>, scalar_prefetch = 0 : i64, scratch_operands = 12 : i64, tpu.core_type = #tpu.core_type<sc_vector_subcore>, window_params = [{transform_indices = #map}, {transform_indices = #map1}, {transform_indices = #map}]} {
    %mul3A = arith.constant 2 : i32
    %mul3A_0 = arith.muli %arg1, %mul3A : i32
    %add3A = arith.addi %mul3A_0, %arg0 : i32
    %mul3A_1 = arith.constant 5120 : i32
    %mul3A_2 = arith.muli %add3A, %mul3A_1 : i32
    "tpu.region"() ({
      %run_scoped3A = tpu.sem_alloc : memref<!tpu.dma_semaphore, #tpu.memory_space<semaphore_mem>>
      %dma_start3A_131 = tpu.memref_slice %arg3[%mul3A_2] : memref<163840xi32, #tpu.memory_space<hbm>> -> memref<5120xi32, #tpu.memory_space<hbm>>
      %dma_start3A_132 = tpu.memref_slice %arg3[%mul3A_2] : memref<163840xi32, #tpu.memory_space<hbm>> -> memref<5120xi32, #tpu.memory_space<hbm>>
      tpu.enqueue_dma source(%dma_start3A_132 : memref<5120xi32, #tpu.memory_space<hbm>>) target(%arg5 : memref<5120xi32, #tpu.memory_space<vmem>>) target_semaphore(%run_scoped3A : memref<!tpu.dma_semaphore, #tpu.memory_space<semaphore_mem>>)
      %dma_wait3A_133 = tpu.memref_slice %arg3[%mul3A_2] : memref<163840xi32, #tpu.memory_space<hbm>> -> memref<5120xi32, #tpu.memory_space<hbm>>
      %dma_wait3A_134 = tpu.memref_slice %arg3[%mul3A_2] : memref<163840xi32, #tpu.memory_space<hbm>> -> memref<5120xi32, #tpu.memory_space<hbm>>
      tpu.wait_dma2 semaphore(%run_scoped3A : memref<!tpu.dma_semaphore, #tpu.memory_space<semaphore_mem>>) src(%dma_wait3A_134 : memref<5120xi32, #tpu.memory_space<hbm>>) dst(%arg5 : memref<5120xi32, #tpu.memory_space<vmem>>)
      tpu.yield
    }) : () -> ()
    %dma_start3A = arith.constant 0 : i32
    %dma_start3A_3 = arith.constant 0 : i32
    %dma_start3A_4 = arith.constant 0 : i32
    %dma_start3A_5 = tpu.memref_slice %arg6[%dma_start3A, %dma_start3A_3, %dma_start3A_4] : memref<5x128x128xf32, #tpu.memory_space<vmem>> -> memref<1x128x128xf32, #tpu.memory_space<vmem>>
    %dma_start3A_6 = tpu.memref_squeeze %dma_start3A_5 : memref<1x128x128xf32, #tpu.memory_space<vmem>> -> memref<128x128xf32, #tpu.memory_space<vmem>>
    %dma_start3A_7 = arith.constant 0 : i32
    %dma_start3A_8 = tpu.memref_slice %arg5[%dma_start3A_7] : memref<5120xi32, #tpu.memory_space<vmem>> -> memref<128xi32, #tpu.memory_space<vmem>>
    %dma_start3A_9 = arith.constant 0 : i32
    %dma_start3A_10 = arith.constant 0 : i32
    %dma_start3A_11 = tpu.memref_slice %arg2[%dma_start3A_9, %dma_start3A_10] : memref<10240x128xf32, #tpu.memory_space<hbm>> -> memref<10240x128xf32, #tpu.memory_space<hbm>>
    tpu.enqueue_indirect_dma source(%dma_start3A_11 : memref<10240x128xf32, #tpu.memory_space<hbm>>) target(%dma_start3A_6 : memref<128x128xf32, #tpu.memory_space<vmem>>) offsets(%dma_start3A_8 : memref<128xi32, #tpu.memory_space<vmem>>) semaphore(%arg7 : memref<!tpu.dma_semaphore, #tpu.memory_space<semaphore_mem>>)
    %dma_start3A_12 = arith.constant 1 : i32
    %dma_start3A_13 = arith.constant 0 : i32
    %dma_start3A_14 = arith.constant 0 : i32
    %dma_start3A_15 = tpu.memref_slice %arg6[%dma_start3A_12, %dma_start3A_13, %dma_start3A_14] : memref<5x128x128xf32, #tpu.memory_space<vmem>> -> memref<1x128x128xf32, #tpu.memory_space<vmem>>
    %dma_start3A_16 = tpu.memref_squeeze %dma_start3A_15 : memref<1x128x128xf32, #tpu.memory_space<vmem>> -> memref<128x128xf32, #tpu.memory_space<vmem>>
    %dma_start3A_17 = arith.constant 128 : i32
    %dma_start3A_18 = tpu.memref_slice %arg5[%dma_start3A_17] : memref<5120xi32, #tpu.memory_space<vmem>> -> memref<128xi32, #tpu.memory_space<vmem>>
    %dma_start3A_19 = arith.constant 0 : i32
    %dma_start3A_20 = arith.constant 0 : i32
    %dma_start3A_21 = tpu.memref_slice %arg2[%dma_start3A_19, %dma_start3A_20] : memref<10240x128xf32, #tpu.memory_space<hbm>> -> memref<10240x128xf32, #tpu.memory_space<hbm>>
    tpu.enqueue_indirect_dma source(%dma_start3A_21 : memref<10240x128xf32, #tpu.memory_space<hbm>>) target(%dma_start3A_16 : memref<128x128xf32, #tpu.memory_space<vmem>>) offsets(%dma_start3A_18 : memref<128xi32, #tpu.memory_space<vmem>>) semaphore(%arg8 : memref<!tpu.dma_semaphore, #tpu.memory_space<semaphore_mem>>)
    %dma_start3A_22 = arith.constant 2 : i32
    %dma_start3A_23 = arith.constant 0 : i32
    %dma_start3A_24 = arith.constant 0 : i32
    %dma_start3A_25 = tpu.memref_slice %arg6[%dma_start3A_22, %dma_start3A_23, %dma_start3A_24] : memref<5x128x128xf32, #tpu.memory_space<vmem>> -> memref<1x128x128xf32, #tpu.memory_space<vmem>>
    %dma_start3A_26 = tpu.memref_squeeze %dma_start3A_25 : memref<1x128x128xf32, #tpu.memory_space<vmem>> -> memref<128x128xf32, #tpu.memory_space<vmem>>
    %dma_start3A_27 = arith.constant 256 : i32
    %dma_start3A_28 = tpu.memref_slice %arg5[%dma_start3A_27] : memref<5120xi32, #tpu.memory_space<vmem>> -> memref<128xi32, #tpu.memory_space<vmem>>
    %dma_start3A_29 = arith.constant 0 : i32
    %dma_start3A_30 = arith.constant 0 : i32
    %dma_start3A_31 = tpu.memref_slice %arg2[%dma_start3A_29, %dma_start3A_30] : memref<10240x128xf32, #tpu.memory_space<hbm>> -> memref<10240x128xf32, #tpu.memory_space<hbm>>
    tpu.enqueue_indirect_dma source(%dma_start3A_31 : memref<10240x128xf32, #tpu.memory_space<hbm>>) target(%dma_start3A_26 : memref<128x128xf32, #tpu.memory_space<vmem>>) offsets(%dma_start3A_28 : memref<128xi32, #tpu.memory_space<vmem>>) semaphore(%arg9 : memref<!tpu.dma_semaphore, #tpu.memory_space<semaphore_mem>>)
    %dma_start3A_32 = arith.constant 3 : i32
    %dma_start3A_33 = arith.constant 0 : i32
    %dma_start3A_34 = arith.constant 0 : i32
    %dma_start3A_35 = tpu.memref_slice %arg6[%dma_start3A_32, %dma_start3A_33, %dma_start3A_34] : memref<5x128x128xf32, #tpu.memory_space<vmem>> -> memref<1x128x128xf32, #tpu.memory_space<vmem>>
    %dma_start3A_36 = tpu.memref_squeeze %dma_start3A_35 : memref<1x128x128xf32, #tpu.memory_space<vmem>> -> memref<128x128xf32, #tpu.memory_space<vmem>>
    %dma_start3A_37 = arith.constant 384 : i32
    %dma_start3A_38 = tpu.memref_slice %arg5[%dma_start3A_37] : memref<5120xi32, #tpu.memory_space<vmem>> -> memref<128xi32, #tpu.memory_space<vmem>>
    %dma_start3A_39 = arith.constant 0 : i32
    %dma_start3A_40 = arith.constant 0 : i32
    %dma_start3A_41 = tpu.memref_slice %arg2[%dma_start3A_39, %dma_start3A_40] : memref<10240x128xf32, #tpu.memory_space<hbm>> -> memref<10240x128xf32, #tpu.memory_space<hbm>>
    tpu.enqueue_indirect_dma source(%dma_start3A_41 : memref<10240x128xf32, #tpu.memory_space<hbm>>) target(%dma_start3A_36 : memref<128x128xf32, #tpu.memory_space<vmem>>) offsets(%dma_start3A_38 : memref<128xi32, #tpu.memory_space<vmem>>) semaphore(%arg10 : memref<!tpu.dma_semaphore, #tpu.memory_space<semaphore_mem>>)
    %dma_start3A_42 = arith.constant 4 : i32
    %dma_start3A_43 = arith.constant 0 : i32
    %dma_start3A_44 = arith.constant 0 : i32
    %dma_start3A_45 = tpu.memref_slice %arg6[%dma_start3A_42, %dma_start3A_43, %dma_start3A_44] : memref<5x128x128xf32, #tpu.memory_space<vmem>> -> memref<1x128x128xf32, #tpu.memory_space<vmem>>
    %dma_start3A_46 = tpu.memref_squeeze %dma_start3A_45 : memref<1x128x128xf32, #tpu.memory_space<vmem>> -> memref<128x128xf32, #tpu.memory_space<vmem>>
    %dma_start3A_47 = arith.constant 512 : i32
    %dma_start3A_48 = tpu.memref_slice %arg5[%dma_start3A_47] : memref<5120xi32, #tpu.memory_space<vmem>> -> memref<128xi32, #tpu.memory_space<vmem>>
    %dma_start3A_49 = arith.constant 0 : i32
    %dma_start3A_50 = arith.constant 0 : i32
    %dma_start3A_51 = tpu.memref_slice %arg2[%dma_start3A_49, %dma_start3A_50] : memref<10240x128xf32, #tpu.memory_space<hbm>> -> memref<10240x128xf32, #tpu.memory_space<hbm>>
    tpu.enqueue_indirect_dma source(%dma_start3A_51 : memref<10240x128xf32, #tpu.memory_space<hbm>>) target(%dma_start3A_46 : memref<128x128xf32, #tpu.memory_space<vmem>>) offsets(%dma_start3A_48 : memref<128xi32, #tpu.memory_space<vmem>>) semaphore(%arg11 : memref<!tpu.dma_semaphore, #tpu.memory_space<semaphore_mem>>)
    %scan3A = arith.constant 0 : i32
    %scan3A_52 = arith.constant 0 : i32
    %scan3A_53 = arith.constant 8 : i32
    %scan3A_54 = arith.addi %scan3A_52, %scan3A_53 : i32
    %scan3A_55 = arith.constant 1 : i32
    scf.for %scan3A_131 = %scan3A_52 to %scan3A_54 step %scan3A_55  : i32 {
      %mul3A_132 = arith.constant 5 : i32
      %mul3A_133 = arith.muli %scan3A_131, %mul3A_132 : i32
      %add3A_134 = arith.constant 0 : i32
      %add3A_135 = arith.addi %mul3A_133, %add3A_134 : i32
      %mul3A_136 = arith.constant 128 : i32
      %mul3A_137 = arith.muli %add3A_135, %mul3A_136 : i32
      %dma_wait3A_138 = arith.constant 0 : i32
      %dma_wait3A_139 = arith.constant 0 : i32
      %dma_wait3A_140 = arith.constant 0 : i32
      %dma_wait3A_141 = tpu.memref_slice %arg6[%dma_wait3A_138, %dma_wait3A_139, %dma_wait3A_140] : memref<5x128x128xf32, #tpu.memory_space<vmem>> -> memref<1x128x128xf32, #tpu.memory_space<vmem>>
      %dma_wait3A_142 = tpu.memref_squeeze %dma_wait3A_141 : memref<1x128x128xf32, #tpu.memory_space<vmem>> -> memref<128x128xf32, #tpu.memory_space<vmem>>
      %dma_wait3A_143 = tpu.memref_slice %arg5[%mul3A_137] : memref<5120xi32, #tpu.memory_space<vmem>> -> memref<128xi32, #tpu.memory_space<vmem>>
      %dma_wait3A_144 = arith.constant 0 : i32
      %dma_wait3A_145 = arith.constant 0 : i32
      %dma_wait3A_146 = tpu.memref_slice %arg2[%dma_wait3A_144, %dma_wait3A_145] : memref<10240x128xf32, #tpu.memory_space<hbm>> -> memref<10240x128xf32, #tpu.memory_space<hbm>>
      tpu.wait_indirect_dma semaphore(%arg7 : memref<!tpu.dma_semaphore, #tpu.memory_space<semaphore_mem>>) src(%dma_wait3A_146 : memref<10240x128xf32, #tpu.memory_space<hbm>>) dst(%dma_wait3A_142 : memref<128x128xf32, #tpu.memory_space<vmem>>)
      %mul3A_147 = arith.constant 128 : i32
      %mul3A_148 = arith.muli %add3A_135, %mul3A_147 : i32
      %add3A_149 = arith.addi %mul3A_2, %mul3A_148 : i32
      %dma_start3A_150 = arith.constant 0 : i32
      %dma_start3A_151 = arith.constant 0 : i32
      %dma_start3A_152 = arith.constant 0 : i32
      %dma_start3A_153 = tpu.memref_slice %arg6[%dma_start3A_150, %dma_start3A_151, %dma_start3A_152] : memref<5x128x128xf32, #tpu.memory_space<vmem>> -> memref<1x128x128xf32, #tpu.memory_space<vmem>>
      %dma_start3A_154 = tpu.memref_squeeze %dma_start3A_153 : memref<1x128x128xf32, #tpu.memory_space<vmem>> -> memref<128x128xf32, #tpu.memory_space<vmem>>
      %dma_start3A_155 = arith.constant 0 : i32
      %dma_start3A_156 = tpu.memref_slice %arg4[%add3A_149, %dma_start3A_155] : memref<163840x128xf32, #tpu.memory_space<hbm>> -> memref<128x128xf32, #tpu.memory_space<hbm>>
      %dma_start3A_157 = arith.constant 0 : i32
      %dma_start3A_158 = tpu.memref_slice %arg4[%add3A_149, %dma_start3A_157] : memref<163840x128xf32, #tpu.memory_space<hbm>> -> memref<128x128xf32, #tpu.memory_space<hbm>>
      %dma_start3A_159 = arith.constant 0 : i32
      %dma_start3A_160 = arith.constant 0 : i32
      %dma_start3A_161 = tpu.memref_slice %arg6[%dma_start3A_150, %dma_start3A_159, %dma_start3A_160] : memref<5x128x128xf32, #tpu.memory_space<vmem>> -> memref<1x128x128xf32, #tpu.memory_space<vmem>>
      %dma_start3A_162 = tpu.memref_squeeze %dma_start3A_161 : memref<1x128x128xf32, #tpu.memory_space<vmem>> -> memref<128x128xf32, #tpu.memory_space<vmem>>
      tpu.enqueue_dma source(%dma_start3A_162 : memref<128x128xf32, #tpu.memory_space<vmem>>) target(%dma_start3A_158 : memref<128x128xf32, #tpu.memory_space<hbm>>) target_semaphore(%arg12 : memref<!tpu.dma_semaphore, #tpu.memory_space<semaphore_mem>>)
      %mul3A_163 = arith.constant 5 : i32
      %mul3A_164 = arith.muli %scan3A_131, %mul3A_163 : i32
      %add3A_165 = arith.constant 1 : i32
      %add3A_166 = arith.addi %mul3A_164, %add3A_165 : i32
      %mul3A_167 = arith.constant 128 : i32
      %mul3A_168 = arith.muli %add3A_166, %mul3A_167 : i32
      %dma_wait3A_169 = arith.constant 1 : i32
      %dma_wait3A_170 = arith.constant 0 : i32
      %dma_wait3A_171 = arith.constant 0 : i32
      %dma_wait3A_172 = tpu.memref_slice %arg6[%dma_wait3A_169, %dma_wait3A_170, %dma_wait3A_171] : memref<5x128x128xf32, #tpu.memory_space<vmem>> -> memref<1x128x128xf32, #tpu.memory_space<vmem>>
      %dma_wait3A_173 = tpu.memref_squeeze %dma_wait3A_172 : memref<1x128x128xf32, #tpu.memory_space<vmem>> -> memref<128x128xf32, #tpu.memory_space<vmem>>
      %dma_wait3A_174 = tpu.memref_slice %arg5[%mul3A_168] : memref<5120xi32, #tpu.memory_space<vmem>> -> memref<128xi32, #tpu.memory_space<vmem>>
      %dma_wait3A_175 = arith.constant 0 : i32
      %dma_wait3A_176 = arith.constant 0 : i32
      %dma_wait3A_177 = tpu.memref_slice %arg2[%dma_wait3A_175, %dma_wait3A_176] : memref<10240x128xf32, #tpu.memory_space<hbm>> -> memref<10240x128xf32, #tpu.memory_space<hbm>>
      tpu.wait_indirect_dma semaphore(%arg8 : memref<!tpu.dma_semaphore, #tpu.memory_space<semaphore_mem>>) src(%dma_wait3A_177 : memref<10240x128xf32, #tpu.memory_space<hbm>>) dst(%dma_wait3A_173 : memref<128x128xf32, #tpu.memory_space<vmem>>)
      %mul3A_178 = arith.constant 128 : i32
      %mul3A_179 = arith.muli %add3A_166, %mul3A_178 : i32
      %add3A_180 = arith.addi %mul3A_2, %mul3A_179 : i32
      %dma_start3A_181 = arith.constant 1 : i32
      %dma_start3A_182 = arith.constant 0 : i32
      %dma_start3A_183 = arith.constant 0 : i32
      %dma_start3A_184 = tpu.memref_slice %arg6[%dma_start3A_181, %dma_start3A_182, %dma_start3A_183] : memref<5x128x128xf32, #tpu.memory_space<vmem>> -> memref<1x128x128xf32, #tpu.memory_space<vmem>>
      %dma_start3A_185 = tpu.memref_squeeze %dma_start3A_184 : memref<1x128x128xf32, #tpu.memory_space<vmem>> -> memref<128x128xf32, #tpu.memory_space<vmem>>
      %dma_start3A_186 = arith.constant 0 : i32
      %dma_start3A_187 = tpu.memref_slice %arg4[%add3A_180, %dma_start3A_186] : memref<163840x128xf32, #tpu.memory_space<hbm>> -> memref<128x128xf32, #tpu.memory_space<hbm>>
      %dma_start3A_188 = arith.constant 0 : i32
      %dma_start3A_189 = tpu.memref_slice %arg4[%add3A_180, %dma_start3A_188] : memref<163840x128xf32, #tpu.memory_space<hbm>> -> memref<128x128xf32, #tpu.memory_space<hbm>>
      %dma_start3A_190 = arith.constant 0 : i32
      %dma_start3A_191 = arith.constant 0 : i32
      %dma_start3A_192 = tpu.memref_slice %arg6[%dma_start3A_181, %dma_start3A_190, %dma_start3A_191] : memref<5x128x128xf32, #tpu.memory_space<vmem>> -> memref<1x128x128xf32, #tpu.memory_space<vmem>>
      %dma_start3A_193 = tpu.memref_squeeze %dma_start3A_192 : memref<1x128x128xf32, #tpu.memory_space<vmem>> -> memref<128x128xf32, #tpu.memory_space<vmem>>
      tpu.enqueue_dma source(%dma_start3A_193 : memref<128x128xf32, #tpu.memory_space<vmem>>) target(%dma_start3A_189 : memref<128x128xf32, #tpu.memory_space<hbm>>) target_semaphore(%arg13 : memref<!tpu.dma_semaphore, #tpu.memory_space<semaphore_mem>>)
      %mul3A_194 = arith.constant 5 : i32
      %mul3A_195 = arith.muli %scan3A_131, %mul3A_194 : i32
      %add3A_196 = arith.constant 2 : i32
      %add3A_197 = arith.addi %mul3A_195, %add3A_196 : i32
      %mul3A_198 = arith.constant 128 : i32
      %mul3A_199 = arith.muli %add3A_197, %mul3A_198 : i32
      %dma_wait3A_200 = arith.constant 2 : i32
      %dma_wait3A_201 = arith.constant 0 : i32
      %dma_wait3A_202 = arith.constant 0 : i32
      %dma_wait3A_203 = tpu.memref_slice %arg6[%dma_wait3A_200, %dma_wait3A_201, %dma_wait3A_202] : memref<5x128x128xf32, #tpu.memory_space<vmem>> -> memref<1x128x128xf32, #tpu.memory_space<vmem>>
      %dma_wait3A_204 = tpu.memref_squeeze %dma_wait3A_203 : memref<1x128x128xf32, #tpu.memory_space<vmem>> -> memref<128x128xf32, #tpu.memory_space<vmem>>
      %dma_wait3A_205 = tpu.memref_slice %arg5[%mul3A_199] : memref<5120xi32, #tpu.memory_space<vmem>> -> memref<128xi32, #tpu.memory_space<vmem>>
      %dma_wait3A_206 = arith.constant 0 : i32
      %dma_wait3A_207 = arith.constant 0 : i32
      %dma_wait3A_208 = tpu.memref_slice %arg2[%dma_wait3A_206, %dma_wait3A_207] : memref<10240x128xf32, #tpu.memory_space<hbm>> -> memref<10240x128xf32, #tpu.memory_space<hbm>>
      tpu.wait_indirect_dma semaphore(%arg9 : memref<!tpu.dma_semaphore, #tpu.memory_space<semaphore_mem>>) src(%dma_wait3A_208 : memref<10240x128xf32, #tpu.memory_space<hbm>>) dst(%dma_wait3A_204 : memref<128x128xf32, #tpu.memory_space<vmem>>)
      %mul3A_209 = arith.constant 128 : i32
      %mul3A_210 = arith.muli %add3A_197, %mul3A_209 : i32
      %add3A_211 = arith.addi %mul3A_2, %mul3A_210 : i32
      %dma_start3A_212 = arith.constant 2 : i32
      %dma_start3A_213 = arith.constant 0 : i32
      %dma_start3A_214 = arith.constant 0 : i32
      %dma_start3A_215 = tpu.memref_slice %arg6[%dma_start3A_212, %dma_start3A_213, %dma_start3A_214] : memref<5x128x128xf32, #tpu.memory_space<vmem>> -> memref<1x128x128xf32, #tpu.memory_space<vmem>>
      %dma_start3A_216 = tpu.memref_squeeze %dma_start3A_215 : memref<1x128x128xf32, #tpu.memory_space<vmem>> -> memref<128x128xf32, #tpu.memory_space<vmem>>
      %dma_start3A_217 = arith.constant 0 : i32
      %dma_start3A_218 = tpu.memref_slice %arg4[%add3A_211, %dma_start3A_217] : memref<163840x128xf32, #tpu.memory_space<hbm>> -> memref<128x128xf32, #tpu.memory_space<hbm>>
      %dma_start3A_219 = arith.constant 0 : i32
      %dma_start3A_220 = tpu.memref_slice %arg4[%add3A_211, %dma_start3A_219] : memref<163840x128xf32, #tpu.memory_space<hbm>> -> memref<128x128xf32, #tpu.memory_space<hbm>>
      %dma_start3A_221 = arith.constant 0 : i32
      %dma_start3A_222 = arith.constant 0 : i32
      %dma_start3A_223 = tpu.memref_slice %arg6[%dma_start3A_212, %dma_start3A_221, %dma_start3A_222] : memref<5x128x128xf32, #tpu.memory_space<vmem>> -> memref<1x128x128xf32, #tpu.memory_space<vmem>>
      %dma_start3A_224 = tpu.memref_squeeze %dma_start3A_223 : memref<1x128x128xf32, #tpu.memory_space<vmem>> -> memref<128x128xf32, #tpu.memory_space<vmem>>
      tpu.enqueue_dma source(%dma_start3A_224 : memref<128x128xf32, #tpu.memory_space<vmem>>) target(%dma_start3A_220 : memref<128x128xf32, #tpu.memory_space<hbm>>) target_semaphore(%arg14 : memref<!tpu.dma_semaphore, #tpu.memory_space<semaphore_mem>>)
      %mul3A_225 = arith.constant 5 : i32
      %mul3A_226 = arith.muli %scan3A_131, %mul3A_225 : i32
      %add3A_227 = arith.constant 3 : i32
      %add3A_228 = arith.addi %mul3A_226, %add3A_227 : i32
      %mul3A_229 = arith.constant 128 : i32
      %mul3A_230 = arith.muli %add3A_228, %mul3A_229 : i32
      %dma_wait3A_231 = arith.constant 3 : i32
      %dma_wait3A_232 = arith.constant 0 : i32
      %dma_wait3A_233 = arith.constant 0 : i32
      %dma_wait3A_234 = tpu.memref_slice %arg6[%dma_wait3A_231, %dma_wait3A_232, %dma_wait3A_233] : memref<5x128x128xf32, #tpu.memory_space<vmem>> -> memref<1x128x128xf32, #tpu.memory_space<vmem>>
      %dma_wait3A_235 = tpu.memref_squeeze %dma_wait3A_234 : memref<1x128x128xf32, #tpu.memory_space<vmem>> -> memref<128x128xf32, #tpu.memory_space<vmem>>
      %dma_wait3A_236 = tpu.memref_slice %arg5[%mul3A_230] : memref<5120xi32, #tpu.memory_space<vmem>> -> memref<128xi32, #tpu.memory_space<vmem>>
      %dma_wait3A_237 = arith.constant 0 : i32
      %dma_wait3A_238 = arith.constant 0 : i32
      %dma_wait3A_239 = tpu.memref_slice %arg2[%dma_wait3A_237, %dma_wait3A_238] : memref<10240x128xf32, #tpu.memory_space<hbm>> -> memref<10240x128xf32, #tpu.memory_space<hbm>>
      tpu.wait_indirect_dma semaphore(%arg10 : memref<!tpu.dma_semaphore, #tpu.memory_space<semaphore_mem>>) src(%dma_wait3A_239 : memref<10240x128xf32, #tpu.memory_space<hbm>>) dst(%dma_wait3A_235 : memref<128x128xf32, #tpu.memory_space<vmem>>)
      %mul3A_240 = arith.constant 128 : i32
      %mul3A_241 = arith.muli %add3A_228, %mul3A_240 : i32
      %add3A_242 = arith.addi %mul3A_2, %mul3A_241 : i32
      %dma_start3A_243 = arith.constant 3 : i32
      %dma_start3A_244 = arith.constant 0 : i32
      %dma_start3A_245 = arith.constant 0 : i32
      %dma_start3A_246 = tpu.memref_slice %arg6[%dma_start3A_243, %dma_start3A_244, %dma_start3A_245] : memref<5x128x128xf32, #tpu.memory_space<vmem>> -> memref<1x128x128xf32, #tpu.memory_space<vmem>>
      %dma_start3A_247 = tpu.memref_squeeze %dma_start3A_246 : memref<1x128x128xf32, #tpu.memory_space<vmem>> -> memref<128x128xf32, #tpu.memory_space<vmem>>
      %dma_start3A_248 = arith.constant 0 : i32
      %dma_start3A_249 = tpu.memref_slice %arg4[%add3A_242, %dma_start3A_248] : memref<163840x128xf32, #tpu.memory_space<hbm>> -> memref<128x128xf32, #tpu.memory_space<hbm>>
      %dma_start3A_250 = arith.constant 0 : i32
      %dma_start3A_251 = tpu.memref_slice %arg4[%add3A_242, %dma_start3A_250] : memref<163840x128xf32, #tpu.memory_space<hbm>> -> memref<128x128xf32, #tpu.memory_space<hbm>>
      %dma_start3A_252 = arith.constant 0 : i32
      %dma_start3A_253 = arith.constant 0 : i32
      %dma_start3A_254 = tpu.memref_slice %arg6[%dma_start3A_243, %dma_start3A_252, %dma_start3A_253] : memref<5x128x128xf32, #tpu.memory_space<vmem>> -> memref<1x128x128xf32, #tpu.memory_space<vmem>>
      %dma_start3A_255 = tpu.memref_squeeze %dma_start3A_254 : memref<1x128x128xf32, #tpu.memory_space<vmem>> -> memref<128x128xf32, #tpu.memory_space<vmem>>
      tpu.enqueue_dma source(%dma_start3A_255 : memref<128x128xf32, #tpu.memory_space<vmem>>) target(%dma_start3A_251 : memref<128x128xf32, #tpu.memory_space<hbm>>) target_semaphore(%arg15 : memref<!tpu.dma_semaphore, #tpu.memory_space<semaphore_mem>>)
      %mul3A_256 = arith.constant 5 : i32
      %mul3A_257 = arith.muli %scan3A_131, %mul3A_256 : i32
      %add3A_258 = arith.constant 4 : i32
      %add3A_259 = arith.addi %mul3A_257, %add3A_258 : i32
      %mul3A_260 = arith.constant 128 : i32
      %mul3A_261 = arith.muli %add3A_259, %mul3A_260 : i32
      %dma_wait3A_262 = arith.constant 4 : i32
      %dma_wait3A_263 = arith.constant 0 : i32
      %dma_wait3A_264 = arith.constant 0 : i32
      %dma_wait3A_265 = tpu.memref_slice %arg6[%dma_wait3A_262, %dma_wait3A_263, %dma_wait3A_264] : memref<5x128x128xf32, #tpu.memory_space<vmem>> -> memref<1x128x128xf32, #tpu.memory_space<vmem>>
      %dma_wait3A_266 = tpu.memref_squeeze %dma_wait3A_265 : memref<1x128x128xf32, #tpu.memory_space<vmem>> -> memref<128x128xf32, #tpu.memory_space<vmem>>
      %dma_wait3A_267 = tpu.memref_slice %arg5[%mul3A_261] : memref<5120xi32, #tpu.memory_space<vmem>> -> memref<128xi32, #tpu.memory_space<vmem>>
      %dma_wait3A_268 = arith.constant 0 : i32
      %dma_wait3A_269 = arith.constant 0 : i32
      %dma_wait3A_270 = tpu.memref_slice %arg2[%dma_wait3A_268, %dma_wait3A_269] : memref<10240x128xf32, #tpu.memory_space<hbm>> -> memref<10240x128xf32, #tpu.memory_space<hbm>>
      tpu.wait_indirect_dma semaphore(%arg11 : memref<!tpu.dma_semaphore, #tpu.memory_space<semaphore_mem>>) src(%dma_wait3A_270 : memref<10240x128xf32, #tpu.memory_space<hbm>>) dst(%dma_wait3A_266 : memref<128x128xf32, #tpu.memory_space<vmem>>)
      %mul3A_271 = arith.constant 128 : i32
      %mul3A_272 = arith.muli %add3A_259, %mul3A_271 : i32
      %add3A_273 = arith.addi %mul3A_2, %mul3A_272 : i32
      %dma_start3A_274 = arith.constant 4 : i32
      %dma_start3A_275 = arith.constant 0 : i32
      %dma_start3A_276 = arith.constant 0 : i32
      %dma_start3A_277 = tpu.memref_slice %arg6[%dma_start3A_274, %dma_start3A_275, %dma_start3A_276] : memref<5x128x128xf32, #tpu.memory_space<vmem>> -> memref<1x128x128xf32, #tpu.memory_space<vmem>>
      %dma_start3A_278 = tpu.memref_squeeze %dma_start3A_277 : memref<1x128x128xf32, #tpu.memory_space<vmem>> -> memref<128x128xf32, #tpu.memory_space<vmem>>
      %dma_start3A_279 = arith.constant 0 : i32
      %dma_start3A_280 = tpu.memref_slice %arg4[%add3A_273, %dma_start3A_279] : memref<163840x128xf32, #tpu.memory_space<hbm>> -> memref<128x128xf32, #tpu.memory_space<hbm>>
      %dma_start3A_281 = arith.constant 0 : i32
      %dma_start3A_282 = tpu.memref_slice %arg4[%add3A_273, %dma_start3A_281] : memref<163840x128xf32, #tpu.memory_space<hbm>> -> memref<128x128xf32, #tpu.memory_space<hbm>>
      %dma_start3A_283 = arith.constant 0 : i32
      %dma_start3A_284 = arith.constant 0 : i32
      %dma_start3A_285 = tpu.memref_slice %arg6[%dma_start3A_274, %dma_start3A_283, %dma_start3A_284] : memref<5x128x128xf32, #tpu.memory_space<vmem>> -> memref<1x128x128xf32, #tpu.memory_space<vmem>>
      %dma_start3A_286 = tpu.memref_squeeze %dma_start3A_285 : memref<1x128x128xf32, #tpu.memory_space<vmem>> -> memref<128x128xf32, #tpu.memory_space<vmem>>
      tpu.enqueue_dma source(%dma_start3A_286 : memref<128x128xf32, #tpu.memory_space<vmem>>) target(%dma_start3A_282 : memref<128x128xf32, #tpu.memory_space<hbm>>) target_semaphore(%arg16 : memref<!tpu.dma_semaphore, #tpu.memory_space<semaphore_mem>>)
      %add3A_287 = arith.constant 1 : i32
      %add3A_288 = arith.addi %scan3A_131, %add3A_287 : i32
      %mul3A_289 = arith.constant 5 : i32
      %mul3A_290 = arith.muli %add3A_288, %mul3A_289 : i32
      %add3A_291 = arith.constant 0 : i32
      %add3A_292 = arith.addi %mul3A_290, %add3A_291 : i32
      %lt3A = arith.constant 40 : i32
      %lt3A_293 = arith.cmpi slt, %add3A_292, %lt3A : i32
      %convert_element_type3A = arith.extui %lt3A_293 : i1 to i32
      %cond3A = arith.constant 0 : i32
      %cond3A_294 = arith.cmpi ne, %convert_element_type3A, %cond3A : i32
      scf.if %cond3A_294 {
        %sub3A = arith.constant 5 : i32
        %sub3A_339 = arith.subi %add3A_292, %sub3A : i32
        %mul3A_340 = arith.constant 128 : i32
        %mul3A_341 = arith.muli %sub3A_339, %mul3A_340 : i32
        %add3A_342 = arith.addi %mul3A_2, %mul3A_341 : i32
        %dma_wait3A_343 = arith.constant 0 : i32
        %dma_wait3A_344 = arith.constant 0 : i32
        %dma_wait3A_345 = arith.constant 0 : i32
        %dma_wait3A_346 = tpu.memref_slice %arg6[%dma_wait3A_343, %dma_wait3A_344, %dma_wait3A_345] : memref<5x128x128xf32, #tpu.memory_space<vmem>> -> memref<1x128x128xf32, #tpu.memory_space<vmem>>
        %dma_wait3A_347 = tpu.memref_squeeze %dma_wait3A_346 : memref<1x128x128xf32, #tpu.memory_space<vmem>> -> memref<128x128xf32, #tpu.memory_space<vmem>>
        %dma_wait3A_348 = arith.constant 0 : i32
        %dma_wait3A_349 = tpu.memref_slice %arg4[%add3A_342, %dma_wait3A_348] : memref<163840x128xf32, #tpu.memory_space<hbm>> -> memref<128x128xf32, #tpu.memory_space<hbm>>
        %dma_wait3A_350 = arith.constant 0 : i32
        %dma_wait3A_351 = tpu.memref_slice %arg4[%add3A_342, %dma_wait3A_350] : memref<163840x128xf32, #tpu.memory_space<hbm>> -> memref<128x128xf32, #tpu.memory_space<hbm>>
        %dma_wait3A_352 = arith.constant 0 : i32
        %dma_wait3A_353 = arith.constant 0 : i32
        %dma_wait3A_354 = tpu.memref_slice %arg6[%dma_wait3A_343, %dma_wait3A_352, %dma_wait3A_353] : memref<5x128x128xf32, #tpu.memory_space<vmem>> -> memref<1x128x128xf32, #tpu.memory_space<vmem>>
        %dma_wait3A_355 = tpu.memref_squeeze %dma_wait3A_354 : memref<1x128x128xf32, #tpu.memory_space<vmem>> -> memref<128x128xf32, #tpu.memory_space<vmem>>
        tpu.wait_dma2 semaphore(%arg12 : memref<!tpu.dma_semaphore, #tpu.memory_space<semaphore_mem>>) src(%dma_wait3A_355 : memref<128x128xf32, #tpu.memory_space<vmem>>) dst(%dma_wait3A_351 : memref<128x128xf32, #tpu.memory_space<hbm>>)
        %mul3A_356 = arith.constant 128 : i32
        %mul3A_357 = arith.muli %add3A_292, %mul3A_356 : i32
        %dma_start3A_358 = arith.constant 0 : i32
        %dma_start3A_359 = arith.constant 0 : i32
        %dma_start3A_360 = arith.constant 0 : i32
        %dma_start3A_361 = tpu.memref_slice %arg6[%dma_start3A_358, %dma_start3A_359, %dma_start3A_360] : memref<5x128x128xf32, #tpu.memory_space<vmem>> -> memref<1x128x128xf32, #tpu.memory_space<vmem>>
        %dma_start3A_362 = tpu.memref_squeeze %dma_start3A_361 : memref<1x128x128xf32, #tpu.memory_space<vmem>> -> memref<128x128xf32, #tpu.memory_space<vmem>>
        %dma_start3A_363 = tpu.memref_slice %arg5[%mul3A_357] : memref<5120xi32, #tpu.memory_space<vmem>> -> memref<128xi32, #tpu.memory_space<vmem>>
        %dma_start3A_364 = arith.constant 0 : i32
        %dma_start3A_365 = arith.constant 0 : i32
        %dma_start3A_366 = tpu.memref_slice %arg2[%dma_start3A_364, %dma_start3A_365] : memref<10240x128xf32, #tpu.memory_space<hbm>> -> memref<10240x128xf32, #tpu.memory_space<hbm>>
        tpu.enqueue_indirect_dma source(%dma_start3A_366 : memref<10240x128xf32, #tpu.memory_space<hbm>>) target(%dma_start3A_362 : memref<128x128xf32, #tpu.memory_space<vmem>>) offsets(%dma_start3A_363 : memref<128xi32, #tpu.memory_space<vmem>>) semaphore(%arg7 : memref<!tpu.dma_semaphore, #tpu.memory_space<semaphore_mem>>)
      } else {
      }
      %add3A_295 = arith.constant 1 : i32
      %add3A_296 = arith.addi %scan3A_131, %add3A_295 : i32
      %mul3A_297 = arith.constant 5 : i32
      %mul3A_298 = arith.muli %add3A_296, %mul3A_297 : i32
      %add3A_299 = arith.constant 1 : i32
      %add3A_300 = arith.addi %mul3A_298, %add3A_299 : i32
      %lt3A_301 = arith.constant 40 : i32
      %lt3A_302 = arith.cmpi slt, %add3A_300, %lt3A_301 : i32
      %convert_element_type3A_303 = arith.extui %lt3A_302 : i1 to i32
      %cond3A_304 = arith.constant 0 : i32
      %cond3A_305 = arith.cmpi ne, %convert_element_type3A_303, %cond3A_304 : i32
      scf.if %cond3A_305 {
        %sub3A = arith.constant 5 : i32
        %sub3A_339 = arith.subi %add3A_300, %sub3A : i32
        %mul3A_340 = arith.constant 128 : i32
        %mul3A_341 = arith.muli %sub3A_339, %mul3A_340 : i32
        %add3A_342 = arith.addi %mul3A_2, %mul3A_341 : i32
        %dma_wait3A_343 = arith.constant 1 : i32
        %dma_wait3A_344 = arith.constant 0 : i32
        %dma_wait3A_345 = arith.constant 0 : i32
        %dma_wait3A_346 = tpu.memref_slice %arg6[%dma_wait3A_343, %dma_wait3A_344, %dma_wait3A_345] : memref<5x128x128xf32, #tpu.memory_space<vmem>> -> memref<1x128x128xf32, #tpu.memory_space<vmem>>
        %dma_wait3A_347 = tpu.memref_squeeze %dma_wait3A_346 : memref<1x128x128xf32, #tpu.memory_space<vmem>> -> memref<128x128xf32, #tpu.memory_space<vmem>>
        %dma_wait3A_348 = arith.constant 0 : i32
        %dma_wait3A_349 = tpu.memref_slice %arg4[%add3A_342, %dma_wait3A_348] : memref<163840x128xf32, #tpu.memory_space<hbm>> -> memref<128x128xf32, #tpu.memory_space<hbm>>
        %dma_wait3A_350 = arith.constant 0 : i32
        %dma_wait3A_351 = tpu.memref_slice %arg4[%add3A_342, %dma_wait3A_350] : memref<163840x128xf32, #tpu.memory_space<hbm>> -> memref<128x128xf32, #tpu.memory_space<hbm>>
        %dma_wait3A_352 = arith.constant 0 : i32
        %dma_wait3A_353 = arith.constant 0 : i32
        %dma_wait3A_354 = tpu.memref_slice %arg6[%dma_wait3A_343, %dma_wait3A_352, %dma_wait3A_353] : memref<5x128x128xf32, #tpu.memory_space<vmem>> -> memref<1x128x128xf32, #tpu.memory_space<vmem>>
        %dma_wait3A_355 = tpu.memref_squeeze %dma_wait3A_354 : memref<1x128x128xf32, #tpu.memory_space<vmem>> -> memref<128x128xf32, #tpu.memory_space<vmem>>
        tpu.wait_dma2 semaphore(%arg13 : memref<!tpu.dma_semaphore, #tpu.memory_space<semaphore_mem>>) src(%dma_wait3A_355 : memref<128x128xf32, #tpu.memory_space<vmem>>) dst(%dma_wait3A_351 : memref<128x128xf32, #tpu.memory_space<hbm>>)
        %mul3A_356 = arith.constant 128 : i32
        %mul3A_357 = arith.muli %add3A_300, %mul3A_356 : i32
        %dma_start3A_358 = arith.constant 1 : i32
        %dma_start3A_359 = arith.constant 0 : i32
        %dma_start3A_360 = arith.constant 0 : i32
        %dma_start3A_361 = tpu.memref_slice %arg6[%dma_start3A_358, %dma_start3A_359, %dma_start3A_360] : memref<5x128x128xf32, #tpu.memory_space<vmem>> -> memref<1x128x128xf32, #tpu.memory_space<vmem>>
        %dma_start3A_362 = tpu.memref_squeeze %dma_start3A_361 : memref<1x128x128xf32, #tpu.memory_space<vmem>> -> memref<128x128xf32, #tpu.memory_space<vmem>>
        %dma_start3A_363 = tpu.memref_slice %arg5[%mul3A_357] : memref<5120xi32, #tpu.memory_space<vmem>> -> memref<128xi32, #tpu.memory_space<vmem>>
        %dma_start3A_364 = arith.constant 0 : i32
        %dma_start3A_365 = arith.constant 0 : i32
        %dma_start3A_366 = tpu.memref_slice %arg2[%dma_start3A_364, %dma_start3A_365] : memref<10240x128xf32, #tpu.memory_space<hbm>> -> memref<10240x128xf32, #tpu.memory_space<hbm>>
        tpu.enqueue_indirect_dma source(%dma_start3A_366 : memref<10240x128xf32, #tpu.memory_space<hbm>>) target(%dma_start3A_362 : memref<128x128xf32, #tpu.memory_space<vmem>>) offsets(%dma_start3A_363 : memref<128xi32, #tpu.memory_space<vmem>>) semaphore(%arg8 : memref<!tpu.dma_semaphore, #tpu.memory_space<semaphore_mem>>)
      } else {
      }
      %add3A_306 = arith.constant 1 : i32
      %add3A_307 = arith.addi %scan3A_131, %add3A_306 : i32
      %mul3A_308 = arith.constant 5 : i32
      %mul3A_309 = arith.muli %add3A_307, %mul3A_308 : i32
      %add3A_310 = arith.constant 2 : i32
      %add3A_311 = arith.addi %mul3A_309, %add3A_310 : i32
      %lt3A_312 = arith.constant 40 : i32
      %lt3A_313 = arith.cmpi slt, %add3A_311, %lt3A_312 : i32
      %convert_element_type3A_314 = arith.extui %lt3A_313 : i1 to i32
      %cond3A_315 = arith.constant 0 : i32
      %cond3A_316 = arith.cmpi ne, %convert_element_type3A_314, %cond3A_315 : i32
      scf.if %cond3A_316 {
        %sub3A = arith.constant 5 : i32
        %sub3A_339 = arith.subi %add3A_311, %sub3A : i32
        %mul3A_340 = arith.constant 128 : i32
        %mul3A_341 = arith.muli %sub3A_339, %mul3A_340 : i32
        %add3A_342 = arith.addi %mul3A_2, %mul3A_341 : i32
        %dma_wait3A_343 = arith.constant 2 : i32
        %dma_wait3A_344 = arith.constant 0 : i32
        %dma_wait3A_345 = arith.constant 0 : i32
        %dma_wait3A_346 = tpu.memref_slice %arg6[%dma_wait3A_343, %dma_wait3A_344, %dma_wait3A_345] : memref<5x128x128xf32, #tpu.memory_space<vmem>> -> memref<1x128x128xf32, #tpu.memory_space<vmem>>
        %dma_wait3A_347 = tpu.memref_squeeze %dma_wait3A_346 : memref<1x128x128xf32, #tpu.memory_space<vmem>> -> memref<128x128xf32, #tpu.memory_space<vmem>>
        %dma_wait3A_348 = arith.constant 0 : i32
        %dma_wait3A_349 = tpu.memref_slice %arg4[%add3A_342, %dma_wait3A_348] : memref<163840x128xf32, #tpu.memory_space<hbm>> -> memref<128x128xf32, #tpu.memory_space<hbm>>
        %dma_wait3A_350 = arith.constant 0 : i32
        %dma_wait3A_351 = tpu.memref_slice %arg4[%add3A_342, %dma_wait3A_350] : memref<163840x128xf32, #tpu.memory_space<hbm>> -> memref<128x128xf32, #tpu.memory_space<hbm>>
        %dma_wait3A_352 = arith.constant 0 : i32
        %dma_wait3A_353 = arith.constant 0 : i32
        %dma_wait3A_354 = tpu.memref_slice %arg6[%dma_wait3A_343, %dma_wait3A_352, %dma_wait3A_353] : memref<5x128x128xf32, #tpu.memory_space<vmem>> -> memref<1x128x128xf32, #tpu.memory_space<vmem>>
        %dma_wait3A_355 = tpu.memref_squeeze %dma_wait3A_354 : memref<1x128x128xf32, #tpu.memory_space<vmem>> -> memref<128x128xf32, #tpu.memory_space<vmem>>
        tpu.wait_dma2 semaphore(%arg14 : memref<!tpu.dma_semaphore, #tpu.memory_space<semaphore_mem>>) src(%dma_wait3A_355 : memref<128x128xf32, #tpu.memory_space<vmem>>) dst(%dma_wait3A_351 : memref<128x128xf32, #tpu.memory_space<hbm>>)
        %mul3A_356 = arith.constant 128 : i32
        %mul3A_357 = arith.muli %add3A_311, %mul3A_356 : i32
        %dma_start3A_358 = arith.constant 2 : i32
        %dma_start3A_359 = arith.constant 0 : i32
        %dma_start3A_360 = arith.constant 0 : i32
        %dma_start3A_361 = tpu.memref_slice %arg6[%dma_start3A_358, %dma_start3A_359, %dma_start3A_360] : memref<5x128x128xf32, #tpu.memory_space<vmem>> -> memref<1x128x128xf32, #tpu.memory_space<vmem>>
        %dma_start3A_362 = tpu.memref_squeeze %dma_start3A_361 : memref<1x128x128xf32, #tpu.memory_space<vmem>> -> memref<128x128xf32, #tpu.memory_space<vmem>>
        %dma_start3A_363 = tpu.memref_slice %arg5[%mul3A_357] : memref<5120xi32, #tpu.memory_space<vmem>> -> memref<128xi32, #tpu.memory_space<vmem>>
        %dma_start3A_364 = arith.constant 0 : i32
        %dma_start3A_365 = arith.constant 0 : i32
        %dma_start3A_366 = tpu.memref_slice %arg2[%dma_start3A_364, %dma_start3A_365] : memref<10240x128xf32, #tpu.memory_space<hbm>> -> memref<10240x128xf32, #tpu.memory_space<hbm>>
        tpu.enqueue_indirect_dma source(%dma_start3A_366 : memref<10240x128xf32, #tpu.memory_space<hbm>>) target(%dma_start3A_362 : memref<128x128xf32, #tpu.memory_space<vmem>>) offsets(%dma_start3A_363 : memref<128xi32, #tpu.memory_space<vmem>>) semaphore(%arg9 : memref<!tpu.dma_semaphore, #tpu.memory_space<semaphore_mem>>)
      } else {
      }
      %add3A_317 = arith.constant 1 : i32
      %add3A_318 = arith.addi %scan3A_131, %add3A_317 : i32
      %mul3A_319 = arith.constant 5 : i32
      %mul3A_320 = arith.muli %add3A_318, %mul3A_319 : i32
      %add3A_321 = arith.constant 3 : i32
      %add3A_322 = arith.addi %mul3A_320, %add3A_321 : i32
      %lt3A_323 = arith.constant 40 : i32
      %lt3A_324 = arith.cmpi slt, %add3A_322, %lt3A_323 : i32
      %convert_element_type3A_325 = arith.extui %lt3A_324 : i1 to i32
      %cond3A_326 = arith.constant 0 : i32
      %cond3A_327 = arith.cmpi ne, %convert_element_type3A_325, %cond3A_326 : i32
      scf.if %cond3A_327 {
        %sub3A = arith.constant 5 : i32
        %sub3A_339 = arith.subi %add3A_322, %sub3A : i32
        %mul3A_340 = arith.constant 128 : i32
        %mul3A_341 = arith.muli %sub3A_339, %mul3A_340 : i32
        %add3A_342 = arith.addi %mul3A_2, %mul3A_341 : i32
        %dma_wait3A_343 = arith.constant 3 : i32
        %dma_wait3A_344 = arith.constant 0 : i32
        %dma_wait3A_345 = arith.constant 0 : i32
        %dma_wait3A_346 = tpu.memref_slice %arg6[%dma_wait3A_343, %dma_wait3A_344, %dma_wait3A_345] : memref<5x128x128xf32, #tpu.memory_space<vmem>> -> memref<1x128x128xf32, #tpu.memory_space<vmem>>
        %dma_wait3A_347 = tpu.memref_squeeze %dma_wait3A_346 : memref<1x128x128xf32, #tpu.memory_space<vmem>> -> memref<128x128xf32, #tpu.memory_space<vmem>>
        %dma_wait3A_348 = arith.constant 0 : i32
        %dma_wait3A_349 = tpu.memref_slice %arg4[%add3A_342, %dma_wait3A_348] : memref<163840x128xf32, #tpu.memory_space<hbm>> -> memref<128x128xf32, #tpu.memory_space<hbm>>
        %dma_wait3A_350 = arith.constant 0 : i32
        %dma_wait3A_351 = tpu.memref_slice %arg4[%add3A_342, %dma_wait3A_350] : memref<163840x128xf32, #tpu.memory_space<hbm>> -> memref<128x128xf32, #tpu.memory_space<hbm>>
        %dma_wait3A_352 = arith.constant 0 : i32
        %dma_wait3A_353 = arith.constant 0 : i32
        %dma_wait3A_354 = tpu.memref_slice %arg6[%dma_wait3A_343, %dma_wait3A_352, %dma_wait3A_353] : memref<5x128x128xf32, #tpu.memory_space<vmem>> -> memref<1x128x128xf32, #tpu.memory_space<vmem>>
        %dma_wait3A_355 = tpu.memref_squeeze %dma_wait3A_354 : memref<1x128x128xf32, #tpu.memory_space<vmem>> -> memref<128x128xf32, #tpu.memory_space<vmem>>
        tpu.wait_dma2 semaphore(%arg15 : memref<!tpu.dma_semaphore, #tpu.memory_space<semaphore_mem>>) src(%dma_wait3A_355 : memref<128x128xf32, #tpu.memory_space<vmem>>) dst(%dma_wait3A_351 : memref<128x128xf32, #tpu.memory_space<hbm>>)
        %mul3A_356 = arith.constant 128 : i32
        %mul3A_357 = arith.muli %add3A_322, %mul3A_356 : i32
        %dma_start3A_358 = arith.constant 3 : i32
        %dma_start3A_359 = arith.constant 0 : i32
        %dma_start3A_360 = arith.constant 0 : i32
        %dma_start3A_361 = tpu.memref_slice %arg6[%dma_start3A_358, %dma_start3A_359, %dma_start3A_360] : memref<5x128x128xf32, #tpu.memory_space<vmem>> -> memref<1x128x128xf32, #tpu.memory_space<vmem>>
        %dma_start3A_362 = tpu.memref_squeeze %dma_start3A_361 : memref<1x128x128xf32, #tpu.memory_space<vmem>> -> memref<128x128xf32, #tpu.memory_space<vmem>>
        %dma_start3A_363 = tpu.memref_slice %arg5[%mul3A_357] : memref<5120xi32, #tpu.memory_space<vmem>> -> memref<128xi32, #tpu.memory_space<vmem>>
        %dma_start3A_364 = arith.constant 0 : i32
        %dma_start3A_365 = arith.constant 0 : i32
        %dma_start3A_366 = tpu.memref_slice %arg2[%dma_start3A_364, %dma_start3A_365] : memref<10240x128xf32, #tpu.memory_space<hbm>> -> memref<10240x128xf32, #tpu.memory_space<hbm>>
        tpu.enqueue_indirect_dma source(%dma_start3A_366 : memref<10240x128xf32, #tpu.memory_space<hbm>>) target(%dma_start3A_362 : memref<128x128xf32, #tpu.memory_space<vmem>>) offsets(%dma_start3A_363 : memref<128xi32, #tpu.memory_space<vmem>>) semaphore(%arg10 : memref<!tpu.dma_semaphore, #tpu.memory_space<semaphore_mem>>)
      } else {
      }
      %add3A_328 = arith.constant 1 : i32
      %add3A_329 = arith.addi %scan3A_131, %add3A_328 : i32
      %mul3A_330 = arith.constant 5 : i32
      %mul3A_331 = arith.muli %add3A_329, %mul3A_330 : i32
      %add3A_332 = arith.constant 4 : i32
      %add3A_333 = arith.addi %mul3A_331, %add3A_332 : i32
      %lt3A_334 = arith.constant 40 : i32
      %lt3A_335 = arith.cmpi slt, %add3A_333, %lt3A_334 : i32
      %convert_element_type3A_336 = arith.extui %lt3A_335 : i1 to i32
      %cond3A_337 = arith.constant 0 : i32
      %cond3A_338 = arith.cmpi ne, %convert_element_type3A_336, %cond3A_337 : i32
      scf.if %cond3A_338 {
        %sub3A = arith.constant 5 : i32
        %sub3A_339 = arith.subi %add3A_333, %sub3A : i32
        %mul3A_340 = arith.constant 128 : i32
        %mul3A_341 = arith.muli %sub3A_339, %mul3A_340 : i32
        %add3A_342 = arith.addi %mul3A_2, %mul3A_341 : i32
        %dma_wait3A_343 = arith.constant 4 : i32
        %dma_wait3A_344 = arith.constant 0 : i32
        %dma_wait3A_345 = arith.constant 0 : i32
        %dma_wait3A_346 = tpu.memref_slice %arg6[%dma_wait3A_343, %dma_wait3A_344, %dma_wait3A_345] : memref<5x128x128xf32, #tpu.memory_space<vmem>> -> memref<1x128x128xf32, #tpu.memory_space<vmem>>
        %dma_wait3A_347 = tpu.memref_squeeze %dma_wait3A_346 : memref<1x128x128xf32, #tpu.memory_space<vmem>> -> memref<128x128xf32, #tpu.memory_space<vmem>>
        %dma_wait3A_348 = arith.constant 0 : i32
        %dma_wait3A_349 = tpu.memref_slice %arg4[%add3A_342, %dma_wait3A_348] : memref<163840x128xf32, #tpu.memory_space<hbm>> -> memref<128x128xf32, #tpu.memory_space<hbm>>
        %dma_wait3A_350 = arith.constant 0 : i32
        %dma_wait3A_351 = tpu.memref_slice %arg4[%add3A_342, %dma_wait3A_350] : memref<163840x128xf32, #tpu.memory_space<hbm>> -> memref<128x128xf32, #tpu.memory_space<hbm>>
        %dma_wait3A_352 = arith.constant 0 : i32
        %dma_wait3A_353 = arith.constant 0 : i32
        %dma_wait3A_354 = tpu.memref_slice %arg6[%dma_wait3A_343, %dma_wait3A_352, %dma_wait3A_353] : memref<5x128x128xf32, #tpu.memory_space<vmem>> -> memref<1x128x128xf32, #tpu.memory_space<vmem>>
        %dma_wait3A_355 = tpu.memref_squeeze %dma_wait3A_354 : memref<1x128x128xf32, #tpu.memory_space<vmem>> -> memref<128x128xf32, #tpu.memory_space<vmem>>
        tpu.wait_dma2 semaphore(%arg16 : memref<!tpu.dma_semaphore, #tpu.memory_space<semaphore_mem>>) src(%dma_wait3A_355 : memref<128x128xf32, #tpu.memory_space<vmem>>) dst(%dma_wait3A_351 : memref<128x128xf32, #tpu.memory_space<hbm>>)
        %mul3A_356 = arith.constant 128 : i32
        %mul3A_357 = arith.muli %add3A_333, %mul3A_356 : i32
        %dma_start3A_358 = arith.constant 4 : i32
        %dma_start3A_359 = arith.constant 0 : i32
        %dma_start3A_360 = arith.constant 0 : i32
        %dma_start3A_361 = tpu.memref_slice %arg6[%dma_start3A_358, %dma_start3A_359, %dma_start3A_360] : memref<5x128x128xf32, #tpu.memory_space<vmem>> -> memref<1x128x128xf32, #tpu.memory_space<vmem>>
        %dma_start3A_362 = tpu.memref_squeeze %dma_start3A_361 : memref<1x128x128xf32, #tpu.memory_space<vmem>> -> memref<128x128xf32, #tpu.memory_space<vmem>>
        %dma_start3A_363 = tpu.memref_slice %arg5[%mul3A_357] : memref<5120xi32, #tpu.memory_space<vmem>> -> memref<128xi32, #tpu.memory_space<vmem>>
        %dma_start3A_364 = arith.constant 0 : i32
        %dma_start3A_365 = arith.constant 0 : i32
        %dma_start3A_366 = tpu.memref_slice %arg2[%dma_start3A_364, %dma_start3A_365] : memref<10240x128xf32, #tpu.memory_space<hbm>> -> memref<10240x128xf32, #tpu.memory_space<hbm>>
        tpu.enqueue_indirect_dma source(%dma_start3A_366 : memref<10240x128xf32, #tpu.memory_space<hbm>>) target(%dma_start3A_362 : memref<128x128xf32, #tpu.memory_space<vmem>>) offsets(%dma_start3A_363 : memref<128xi32, #tpu.memory_space<vmem>>) semaphore(%arg11 : memref<!tpu.dma_semaphore, #tpu.memory_space<semaphore_mem>>)
      } else {
      }
    }
    %scan3A_56 = arith.constant 8 : i32
    %add3A_57 = arith.constant 4480 : i32
    %add3A_58 = arith.addi %mul3A_2, %add3A_57 : i32
    %dma_wait3A = arith.constant 0 : i32
    %dma_wait3A_59 = arith.constant 0 : i32
    %dma_wait3A_60 = arith.constant 0 : i32
    %dma_wait3A_61 = tpu.memref_slice %arg6[%dma_wait3A, %dma_wait3A_59, %dma_wait3A_60] : memref<5x128x128xf32, #tpu.memory_space<vmem>> -> memref<1x128x128xf32, #tpu.memory_space<vmem>>
    %dma_wait3A_62 = tpu.memref_squeeze %dma_wait3A_61 : memref<1x128x128xf32, #tpu.memory_space<vmem>> -> memref<128x128xf32, #tpu.memory_space<vmem>>
    %dma_wait3A_63 = arith.constant 0 : i32
    %dma_wait3A_64 = tpu.memref_slice %arg4[%add3A_58, %dma_wait3A_63] : memref<163840x128xf32, #tpu.memory_space<hbm>> -> memref<128x128xf32, #tpu.memory_space<hbm>>
    %dma_wait3A_65 = arith.constant 0 : i32
    %dma_wait3A_66 = tpu.memref_slice %arg4[%add3A_58, %dma_wait3A_65] : memref<163840x128xf32, #tpu.memory_space<hbm>> -> memref<128x128xf32, #tpu.memory_space<hbm>>
    %dma_wait3A_67 = arith.constant 0 : i32
    %dma_wait3A_68 = arith.constant 0 : i32
    %dma_wait3A_69 = tpu.memref_slice %arg6[%dma_wait3A, %dma_wait3A_67, %dma_wait3A_68] : memref<5x128x128xf32, #tpu.memory_space<vmem>> -> memref<1x128x128xf32, #tpu.memory_space<vmem>>
    %dma_wait3A_70 = tpu.memref_squeeze %dma_wait3A_69 : memref<1x128x128xf32, #tpu.memory_space<vmem>> -> memref<128x128xf32, #tpu.memory_space<vmem>>
    tpu.wait_dma2 semaphore(%arg12 : memref<!tpu.dma_semaphore, #tpu.memory_space<semaphore_mem>>) src(%dma_wait3A_70 : memref<128x128xf32, #tpu.memory_space<vmem>>) dst(%dma_wait3A_66 : memref<128x128xf32, #tpu.memory_space<hbm>>)
    %add3A_71 = arith.constant 4608 : i32
    %add3A_72 = arith.addi %mul3A_2, %add3A_71 : i32
    %dma_wait3A_73 = arith.constant 1 : i32
    %dma_wait3A_74 = arith.constant 0 : i32
    %dma_wait3A_75 = arith.constant 0 : i32
    %dma_wait3A_76 = tpu.memref_slice %arg6[%dma_wait3A_73, %dma_wait3A_74, %dma_wait3A_75] : memref<5x128x128xf32, #tpu.memory_space<vmem>> -> memref<1x128x128xf32, #tpu.memory_space<vmem>>
    %dma_wait3A_77 = tpu.memref_squeeze %dma_wait3A_76 : memref<1x128x128xf32, #tpu.memory_space<vmem>> -> memref<128x128xf32, #tpu.memory_space<vmem>>
    %dma_wait3A_78 = arith.constant 0 : i32
    %dma_wait3A_79 = tpu.memref_slice %arg4[%add3A_72, %dma_wait3A_78] : memref<163840x128xf32, #tpu.memory_space<hbm>> -> memref<128x128xf32, #tpu.memory_space<hbm>>
    %dma_wait3A_80 = arith.constant 0 : i32
    %dma_wait3A_81 = tpu.memref_slice %arg4[%add3A_72, %dma_wait3A_80] : memref<163840x128xf32, #tpu.memory_space<hbm>> -> memref<128x128xf32, #tpu.memory_space<hbm>>
    %dma_wait3A_82 = arith.constant 0 : i32
    %dma_wait3A_83 = arith.constant 0 : i32
    %dma_wait3A_84 = tpu.memref_slice %arg6[%dma_wait3A_73, %dma_wait3A_82, %dma_wait3A_83] : memref<5x128x128xf32, #tpu.memory_space<vmem>> -> memref<1x128x128xf32, #tpu.memory_space<vmem>>
    %dma_wait3A_85 = tpu.memref_squeeze %dma_wait3A_84 : memref<1x128x128xf32, #tpu.memory_space<vmem>> -> memref<128x128xf32, #tpu.memory_space<vmem>>
    tpu.wait_dma2 semaphore(%arg13 : memref<!tpu.dma_semaphore, #tpu.memory_space<semaphore_mem>>) src(%dma_wait3A_85 : memref<128x128xf32, #tpu.memory_space<vmem>>) dst(%dma_wait3A_81 : memref<128x128xf32, #tpu.memory_space<hbm>>)
    %add3A_86 = arith.constant 4736 : i32
    %add3A_87 = arith.addi %mul3A_2, %add3A_86 : i32
    %dma_wait3A_88 = arith.constant 2 : i32
    %dma_wait3A_89 = arith.constant 0 : i32
    %dma_wait3A_90 = arith.constant 0 : i32
    %dma_wait3A_91 = tpu.memref_slice %arg6[%dma_wait3A_88, %dma_wait3A_89, %dma_wait3A_90] : memref<5x128x128xf32, #tpu.memory_space<vmem>> -> memref<1x128x128xf32, #tpu.memory_space<vmem>>
    %dma_wait3A_92 = tpu.memref_squeeze %dma_wait3A_91 : memref<1x128x128xf32, #tpu.memory_space<vmem>> -> memref<128x128xf32, #tpu.memory_space<vmem>>
    %dma_wait3A_93 = arith.constant 0 : i32
    %dma_wait3A_94 = tpu.memref_slice %arg4[%add3A_87, %dma_wait3A_93] : memref<163840x128xf32, #tpu.memory_space<hbm>> -> memref<128x128xf32, #tpu.memory_space<hbm>>
    %dma_wait3A_95 = arith.constant 0 : i32
    %dma_wait3A_96 = tpu.memref_slice %arg4[%add3A_87, %dma_wait3A_95] : memref<163840x128xf32, #tpu.memory_space<hbm>> -> memref<128x128xf32, #tpu.memory_space<hbm>>
    %dma_wait3A_97 = arith.constant 0 : i32
    %dma_wait3A_98 = arith.constant 0 : i32
    %dma_wait3A_99 = tpu.memref_slice %arg6[%dma_wait3A_88, %dma_wait3A_97, %dma_wait3A_98] : memref<5x128x128xf32, #tpu.memory_space<vmem>> -> memref<1x128x128xf32, #tpu.memory_space<vmem>>
    %dma_wait3A_100 = tpu.memref_squeeze %dma_wait3A_99 : memref<1x128x128xf32, #tpu.memory_space<vmem>> -> memref<128x128xf32, #tpu.memory_space<vmem>>
    tpu.wait_dma2 semaphore(%arg14 : memref<!tpu.dma_semaphore, #tpu.memory_space<semaphore_mem>>) src(%dma_wait3A_100 : memref<128x128xf32, #tpu.memory_space<vmem>>) dst(%dma_wait3A_96 : memref<128x128xf32, #tpu.memory_space<hbm>>)
    %add3A_101 = arith.constant 4864 : i32
    %add3A_102 = arith.addi %mul3A_2, %add3A_101 : i32
    %dma_wait3A_103 = arith.constant 3 : i32
    %dma_wait3A_104 = arith.constant 0 : i32
    %dma_wait3A_105 = arith.constant 0 : i32
    %dma_wait3A_106 = tpu.memref_slice %arg6[%dma_wait3A_103, %dma_wait3A_104, %dma_wait3A_105] : memref<5x128x128xf32, #tpu.memory_space<vmem>> -> memref<1x128x128xf32, #tpu.memory_space<vmem>>
    %dma_wait3A_107 = tpu.memref_squeeze %dma_wait3A_106 : memref<1x128x128xf32, #tpu.memory_space<vmem>> -> memref<128x128xf32, #tpu.memory_space<vmem>>
    %dma_wait3A_108 = arith.constant 0 : i32
    %dma_wait3A_109 = tpu.memref_slice %arg4[%add3A_102, %dma_wait3A_108] : memref<163840x128xf32, #tpu.memory_space<hbm>> -> memref<128x128xf32, #tpu.memory_space<hbm>>
    %dma_wait3A_110 = arith.constant 0 : i32
    %dma_wait3A_111 = tpu.memref_slice %arg4[%add3A_102, %dma_wait3A_110] : memref<163840x128xf32, #tpu.memory_space<hbm>> -> memref<128x128xf32, #tpu.memory_space<hbm>>
    %dma_wait3A_112 = arith.constant 0 : i32
    %dma_wait3A_113 = arith.constant 0 : i32
    %dma_wait3A_114 = tpu.memref_slice %arg6[%dma_wait3A_103, %dma_wait3A_112, %dma_wait3A_113] : memref<5x128x128xf32, #tpu.memory_space<vmem>> -> memref<1x128x128xf32, #tpu.memory_space<vmem>>
    %dma_wait3A_115 = tpu.memref_squeeze %dma_wait3A_114 : memref<1x128x128xf32, #tpu.memory_space<vmem>> -> memref<128x128xf32, #tpu.memory_space<vmem>>
    tpu.wait_dma2 semaphore(%arg15 : memref<!tpu.dma_semaphore, #tpu.memory_space<semaphore_mem>>) src(%dma_wait3A_115 : memref<128x128xf32, #tpu.memory_space<vmem>>) dst(%dma_wait3A_111 : memref<128x128xf32, #tpu.memory_space<hbm>>)
    %add3A_116 = arith.constant 4992 : i32
    %add3A_117 = arith.addi %mul3A_2, %add3A_116 : i32
    %dma_wait3A_118 = arith.constant 4 : i32
    %dma_wait3A_119 = arith.constant 0 : i32
    %dma_wait3A_120 = arith.constant 0 : i32
    %dma_wait3A_121 = tpu.memref_slice %arg6[%dma_wait3A_118, %dma_wait3A_119, %dma_wait3A_120] : memref<5x128x128xf32, #tpu.memory_space<vmem>> -> memref<1x128x128xf32, #tpu.memory_space<vmem>>
    %dma_wait3A_122 = tpu.memref_squeeze %dma_wait3A_121 : memref<1x128x128xf32, #tpu.memory_space<vmem>> -> memref<128x128xf32, #tpu.memory_space<vmem>>
    %dma_wait3A_123 = arith.constant 0 : i32
    %dma_wait3A_124 = tpu.memref_slice %arg4[%add3A_117, %dma_wait3A_123] : memref<163840x128xf32, #tpu.memory_space<hbm>> -> memref<128x128xf32, #tpu.memory_space<hbm>>
    %dma_wait3A_125 = arith.constant 0 : i32
    %dma_wait3A_126 = tpu.memref_slice %arg4[%add3A_117, %dma_wait3A_125] : memref<163840x128xf32, #tpu.memory_space<hbm>> -> memref<128x128xf32, #tpu.memory_space<hbm>>
    %dma_wait3A_127 = arith.constant 0 : i32
    %dma_wait3A_128 = arith.constant 0 : i32
    %dma_wait3A_129 = tpu.memref_slice %arg6[%dma_wait3A_118, %dma_wait3A_127, %dma_wait3A_128] : memref<5x128x128xf32, #tpu.memory_space<vmem>> -> memref<1x128x128xf32, #tpu.memory_space<vmem>>
    %dma_wait3A_130 = tpu.memref_squeeze %dma_wait3A_129 : memref<1x128x128xf32, #tpu.memory_space<vmem>> -> memref<128x128xf32, #tpu.memory_space<vmem>>
    tpu.wait_dma2 semaphore(%arg16 : memref<!tpu.dma_semaphore, #tpu.memory_space<semaphore_mem>>) src(%dma_wait3A_130 : memref<128x128xf32, #tpu.memory_space<vmem>>) dst(%dma_wait3A_126 : memref<128x128xf32, #tpu.memory_space<hbm>>)
    return
  }
}

#map = affine_map<(d0, d1) -> (0, 0)>
#map1 = affine_map<(d0, d1) -> (0)>
module attributes {stable_mosaic.version = 14 : i64} {
  func.func @gather_k(%arg0: i32, %arg1: i32, %arg2: memref<10240x128xf32, #tpu.memory_space<hbm>>, %arg3: memref<16384xi32, #tpu.memory_space<hbm>>, %arg4: memref<16384x128xf32, #tpu.memory_space<hbm>>, %arg5: memref<512xi32, #tpu.memory_space<vmem>>, %arg6: memref<4x128x128xf32, #tpu.memory_space<vmem>>, %arg7: memref<!tpu.dma_semaphore, #tpu.memory_space<semaphore_mem>>, %arg8: memref<!tpu.dma_semaphore, #tpu.memory_space<semaphore_mem>>, %arg9: memref<!tpu.dma_semaphore, #tpu.memory_space<semaphore_mem>>, %arg10: memref<!tpu.dma_semaphore, #tpu.memory_space<semaphore_mem>>, %arg11: memref<!tpu.dma_semaphore, #tpu.memory_space<semaphore_mem>>, %arg12: memref<!tpu.dma_semaphore, #tpu.memory_space<semaphore_mem>>, %arg13: memref<!tpu.dma_semaphore, #tpu.memory_space<semaphore_mem>>, %arg14: memref<!tpu.dma_semaphore, #tpu.memory_space<semaphore_mem>>) attributes {dimension_semantics = [#tpu.dimension_semantics<core_parallel>, #tpu.dimension_semantics<subcore_parallel>], iteration_bounds = array<i64: 2, 16>, scalar_prefetch = 0 : i64, scratch_operands = 10 : i64, tpu.core_type = #tpu.core_type<sc_vector_subcore>, window_params = [{transform_indices = #map}, {transform_indices = #map1}, {transform_indices = #map}]} {
    %mul3A = arith.constant 2 : i32
    %mul3A_0 = arith.muli %arg1, %mul3A : i32
    %add3A = arith.addi %mul3A_0, %arg0 : i32
    %mul3A_1 = arith.constant 512 : i32
    %mul3A_2 = arith.muli %add3A, %mul3A_1 : i32
    "tpu.region"() ({
      %run_scoped3A = tpu.sem_alloc : memref<!tpu.dma_semaphore, #tpu.memory_space<semaphore_mem>>
      %dma_start3A_268 = tpu.memref_slice %arg3[%mul3A_2] : memref<16384xi32, #tpu.memory_space<hbm>> -> memref<512xi32, #tpu.memory_space<hbm>>
      %dma_start3A_269 = tpu.memref_slice %arg3[%mul3A_2] : memref<16384xi32, #tpu.memory_space<hbm>> -> memref<512xi32, #tpu.memory_space<hbm>>
      tpu.enqueue_dma source(%dma_start3A_269 : memref<512xi32, #tpu.memory_space<hbm>>) target(%arg5 : memref<512xi32, #tpu.memory_space<vmem>>) target_semaphore(%run_scoped3A : memref<!tpu.dma_semaphore, #tpu.memory_space<semaphore_mem>>)
      %dma_wait3A_270 = tpu.memref_slice %arg3[%mul3A_2] : memref<16384xi32, #tpu.memory_space<hbm>> -> memref<512xi32, #tpu.memory_space<hbm>>
      %dma_wait3A_271 = tpu.memref_slice %arg3[%mul3A_2] : memref<16384xi32, #tpu.memory_space<hbm>> -> memref<512xi32, #tpu.memory_space<hbm>>
      tpu.wait_dma2 semaphore(%run_scoped3A : memref<!tpu.dma_semaphore, #tpu.memory_space<semaphore_mem>>) src(%dma_wait3A_271 : memref<512xi32, #tpu.memory_space<hbm>>) dst(%arg5 : memref<512xi32, #tpu.memory_space<vmem>>)
      tpu.yield
    }) : () -> ()
    %dma_start3A = arith.constant 0 : i32
    %dma_start3A_3 = arith.constant 0 : i32
    %dma_start3A_4 = arith.constant 0 : i32
    %dma_start3A_5 = tpu.memref_slice %arg6[%dma_start3A, %dma_start3A_3, %dma_start3A_4] : memref<4x128x128xf32, #tpu.memory_space<vmem>> -> memref<1x128x128xf32, #tpu.memory_space<vmem>>
    %dma_start3A_6 = tpu.memref_squeeze %dma_start3A_5 : memref<1x128x128xf32, #tpu.memory_space<vmem>> -> memref<128x128xf32, #tpu.memory_space<vmem>>
    %dma_start3A_7 = arith.constant 0 : i32
    %dma_start3A_8 = tpu.memref_slice %arg5[%dma_start3A_7] : memref<512xi32, #tpu.memory_space<vmem>> -> memref<128xi32, #tpu.memory_space<vmem>>
    %dma_start3A_9 = arith.constant 0 : i32
    %dma_start3A_10 = arith.constant 0 : i32
    %dma_start3A_11 = tpu.memref_slice %arg2[%dma_start3A_9, %dma_start3A_10] : memref<10240x128xf32, #tpu.memory_space<hbm>> -> memref<10240x128xf32, #tpu.memory_space<hbm>>
    tpu.enqueue_indirect_dma source(%dma_start3A_11 : memref<10240x128xf32, #tpu.memory_space<hbm>>) target(%dma_start3A_6 : memref<128x128xf32, #tpu.memory_space<vmem>>) offsets(%dma_start3A_8 : memref<128xi32, #tpu.memory_space<vmem>>) semaphore(%arg7 : memref<!tpu.dma_semaphore, #tpu.memory_space<semaphore_mem>>)
    %dma_start3A_12 = arith.constant 1 : i32
    %dma_start3A_13 = arith.constant 0 : i32
    %dma_start3A_14 = arith.constant 0 : i32
    %dma_start3A_15 = tpu.memref_slice %arg6[%dma_start3A_12, %dma_start3A_13, %dma_start3A_14] : memref<4x128x128xf32, #tpu.memory_space<vmem>> -> memref<1x128x128xf32, #tpu.memory_space<vmem>>
    %dma_start3A_16 = tpu.memref_squeeze %dma_start3A_15 : memref<1x128x128xf32, #tpu.memory_space<vmem>> -> memref<128x128xf32, #tpu.memory_space<vmem>>
    %dma_start3A_17 = arith.constant 128 : i32
    %dma_start3A_18 = tpu.memref_slice %arg5[%dma_start3A_17] : memref<512xi32, #tpu.memory_space<vmem>> -> memref<128xi32, #tpu.memory_space<vmem>>
    %dma_start3A_19 = arith.constant 0 : i32
    %dma_start3A_20 = arith.constant 0 : i32
    %dma_start3A_21 = tpu.memref_slice %arg2[%dma_start3A_19, %dma_start3A_20] : memref<10240x128xf32, #tpu.memory_space<hbm>> -> memref<10240x128xf32, #tpu.memory_space<hbm>>
    tpu.enqueue_indirect_dma source(%dma_start3A_21 : memref<10240x128xf32, #tpu.memory_space<hbm>>) target(%dma_start3A_16 : memref<128x128xf32, #tpu.memory_space<vmem>>) offsets(%dma_start3A_18 : memref<128xi32, #tpu.memory_space<vmem>>) semaphore(%arg8 : memref<!tpu.dma_semaphore, #tpu.memory_space<semaphore_mem>>)
    %dma_start3A_22 = arith.constant 2 : i32
    %dma_start3A_23 = arith.constant 0 : i32
    %dma_start3A_24 = arith.constant 0 : i32
    %dma_start3A_25 = tpu.memref_slice %arg6[%dma_start3A_22, %dma_start3A_23, %dma_start3A_24] : memref<4x128x128xf32, #tpu.memory_space<vmem>> -> memref<1x128x128xf32, #tpu.memory_space<vmem>>
    %dma_start3A_26 = tpu.memref_squeeze %dma_start3A_25 : memref<1x128x128xf32, #tpu.memory_space<vmem>> -> memref<128x128xf32, #tpu.memory_space<vmem>>
    %dma_start3A_27 = arith.constant 256 : i32
    %dma_start3A_28 = tpu.memref_slice %arg5[%dma_start3A_27] : memref<512xi32, #tpu.memory_space<vmem>> -> memref<128xi32, #tpu.memory_space<vmem>>
    %dma_start3A_29 = arith.constant 0 : i32
    %dma_start3A_30 = arith.constant 0 : i32
    %dma_start3A_31 = tpu.memref_slice %arg2[%dma_start3A_29, %dma_start3A_30] : memref<10240x128xf32, #tpu.memory_space<hbm>> -> memref<10240x128xf32, #tpu.memory_space<hbm>>
    tpu.enqueue_indirect_dma source(%dma_start3A_31 : memref<10240x128xf32, #tpu.memory_space<hbm>>) target(%dma_start3A_26 : memref<128x128xf32, #tpu.memory_space<vmem>>) offsets(%dma_start3A_28 : memref<128xi32, #tpu.memory_space<vmem>>) semaphore(%arg9 : memref<!tpu.dma_semaphore, #tpu.memory_space<semaphore_mem>>)
    %dma_start3A_32 = arith.constant 3 : i32
    %dma_start3A_33 = arith.constant 0 : i32
    %dma_start3A_34 = arith.constant 0 : i32
    %dma_start3A_35 = tpu.memref_slice %arg6[%dma_start3A_32, %dma_start3A_33, %dma_start3A_34] : memref<4x128x128xf32, #tpu.memory_space<vmem>> -> memref<1x128x128xf32, #tpu.memory_space<vmem>>
    %dma_start3A_36 = tpu.memref_squeeze %dma_start3A_35 : memref<1x128x128xf32, #tpu.memory_space<vmem>> -> memref<128x128xf32, #tpu.memory_space<vmem>>
    %dma_start3A_37 = arith.constant 384 : i32
    %dma_start3A_38 = tpu.memref_slice %arg5[%dma_start3A_37] : memref<512xi32, #tpu.memory_space<vmem>> -> memref<128xi32, #tpu.memory_space<vmem>>
    %dma_start3A_39 = arith.constant 0 : i32
    %dma_start3A_40 = arith.constant 0 : i32
    %dma_start3A_41 = tpu.memref_slice %arg2[%dma_start3A_39, %dma_start3A_40] : memref<10240x128xf32, #tpu.memory_space<hbm>> -> memref<10240x128xf32, #tpu.memory_space<hbm>>
    tpu.enqueue_indirect_dma source(%dma_start3A_41 : memref<10240x128xf32, #tpu.memory_space<hbm>>) target(%dma_start3A_36 : memref<128x128xf32, #tpu.memory_space<vmem>>) offsets(%dma_start3A_38 : memref<128xi32, #tpu.memory_space<vmem>>) semaphore(%arg10 : memref<!tpu.dma_semaphore, #tpu.memory_space<semaphore_mem>>)
    %scan3A = arith.constant 0 : i32
    %scan3A_42 = arith.constant 0 : i32
    %mul3A_43 = arith.constant 4 : i32
    %mul3A_44 = arith.muli %scan3A_42, %mul3A_43 : i32
    %add3A_45 = arith.constant 0 : i32
    %add3A_46 = arith.addi %mul3A_44, %add3A_45 : i32
    %mul3A_47 = arith.constant 128 : i32
    %mul3A_48 = arith.muli %add3A_46, %mul3A_47 : i32
    %dma_wait3A = arith.constant 0 : i32
    %dma_wait3A_49 = arith.constant 0 : i32
    %dma_wait3A_50 = arith.constant 0 : i32
    %dma_wait3A_51 = tpu.memref_slice %arg6[%dma_wait3A, %dma_wait3A_49, %dma_wait3A_50] : memref<4x128x128xf32, #tpu.memory_space<vmem>> -> memref<1x128x128xf32, #tpu.memory_space<vmem>>
    %dma_wait3A_52 = tpu.memref_squeeze %dma_wait3A_51 : memref<1x128x128xf32, #tpu.memory_space<vmem>> -> memref<128x128xf32, #tpu.memory_space<vmem>>
    %dma_wait3A_53 = tpu.memref_slice %arg5[%mul3A_48] : memref<512xi32, #tpu.memory_space<vmem>> -> memref<128xi32, #tpu.memory_space<vmem>>
    %dma_wait3A_54 = arith.constant 0 : i32
    %dma_wait3A_55 = arith.constant 0 : i32
    %dma_wait3A_56 = tpu.memref_slice %arg2[%dma_wait3A_54, %dma_wait3A_55] : memref<10240x128xf32, #tpu.memory_space<hbm>> -> memref<10240x128xf32, #tpu.memory_space<hbm>>
    tpu.wait_indirect_dma semaphore(%arg7 : memref<!tpu.dma_semaphore, #tpu.memory_space<semaphore_mem>>) src(%dma_wait3A_56 : memref<10240x128xf32, #tpu.memory_space<hbm>>) dst(%dma_wait3A_52 : memref<128x128xf32, #tpu.memory_space<vmem>>)
    %mul3A_57 = arith.constant 128 : i32
    %mul3A_58 = arith.muli %add3A_46, %mul3A_57 : i32
    %add3A_59 = arith.addi %mul3A_2, %mul3A_58 : i32
    %dma_start3A_60 = arith.constant 0 : i32
    %dma_start3A_61 = arith.constant 0 : i32
    %dma_start3A_62 = arith.constant 0 : i32
    %dma_start3A_63 = tpu.memref_slice %arg6[%dma_start3A_60, %dma_start3A_61, %dma_start3A_62] : memref<4x128x128xf32, #tpu.memory_space<vmem>> -> memref<1x128x128xf32, #tpu.memory_space<vmem>>
    %dma_start3A_64 = tpu.memref_squeeze %dma_start3A_63 : memref<1x128x128xf32, #tpu.memory_space<vmem>> -> memref<128x128xf32, #tpu.memory_space<vmem>>
    %dma_start3A_65 = arith.constant 0 : i32
    %dma_start3A_66 = tpu.memref_slice %arg4[%add3A_59, %dma_start3A_65] : memref<16384x128xf32, #tpu.memory_space<hbm>> -> memref<128x128xf32, #tpu.memory_space<hbm>>
    %dma_start3A_67 = arith.constant 0 : i32
    %dma_start3A_68 = tpu.memref_slice %arg4[%add3A_59, %dma_start3A_67] : memref<16384x128xf32, #tpu.memory_space<hbm>> -> memref<128x128xf32, #tpu.memory_space<hbm>>
    %dma_start3A_69 = arith.constant 0 : i32
    %dma_start3A_70 = arith.constant 0 : i32
    %dma_start3A_71 = tpu.memref_slice %arg6[%dma_start3A_60, %dma_start3A_69, %dma_start3A_70] : memref<4x128x128xf32, #tpu.memory_space<vmem>> -> memref<1x128x128xf32, #tpu.memory_space<vmem>>
    %dma_start3A_72 = tpu.memref_squeeze %dma_start3A_71 : memref<1x128x128xf32, #tpu.memory_space<vmem>> -> memref<128x128xf32, #tpu.memory_space<vmem>>
    tpu.enqueue_dma source(%dma_start3A_72 : memref<128x128xf32, #tpu.memory_space<vmem>>) target(%dma_start3A_68 : memref<128x128xf32, #tpu.memory_space<hbm>>) target_semaphore(%arg11 : memref<!tpu.dma_semaphore, #tpu.memory_space<semaphore_mem>>)
    %mul3A_73 = arith.constant 4 : i32
    %mul3A_74 = arith.muli %scan3A_42, %mul3A_73 : i32
    %add3A_75 = arith.constant 1 : i32
    %add3A_76 = arith.addi %mul3A_74, %add3A_75 : i32
    %mul3A_77 = arith.constant 128 : i32
    %mul3A_78 = arith.muli %add3A_76, %mul3A_77 : i32
    %dma_wait3A_79 = arith.constant 1 : i32
    %dma_wait3A_80 = arith.constant 0 : i32
    %dma_wait3A_81 = arith.constant 0 : i32
    %dma_wait3A_82 = tpu.memref_slice %arg6[%dma_wait3A_79, %dma_wait3A_80, %dma_wait3A_81] : memref<4x128x128xf32, #tpu.memory_space<vmem>> -> memref<1x128x128xf32, #tpu.memory_space<vmem>>
    %dma_wait3A_83 = tpu.memref_squeeze %dma_wait3A_82 : memref<1x128x128xf32, #tpu.memory_space<vmem>> -> memref<128x128xf32, #tpu.memory_space<vmem>>
    %dma_wait3A_84 = tpu.memref_slice %arg5[%mul3A_78] : memref<512xi32, #tpu.memory_space<vmem>> -> memref<128xi32, #tpu.memory_space<vmem>>
    %dma_wait3A_85 = arith.constant 0 : i32
    %dma_wait3A_86 = arith.constant 0 : i32
    %dma_wait3A_87 = tpu.memref_slice %arg2[%dma_wait3A_85, %dma_wait3A_86] : memref<10240x128xf32, #tpu.memory_space<hbm>> -> memref<10240x128xf32, #tpu.memory_space<hbm>>
    tpu.wait_indirect_dma semaphore(%arg8 : memref<!tpu.dma_semaphore, #tpu.memory_space<semaphore_mem>>) src(%dma_wait3A_87 : memref<10240x128xf32, #tpu.memory_space<hbm>>) dst(%dma_wait3A_83 : memref<128x128xf32, #tpu.memory_space<vmem>>)
    %mul3A_88 = arith.constant 128 : i32
    %mul3A_89 = arith.muli %add3A_76, %mul3A_88 : i32
    %add3A_90 = arith.addi %mul3A_2, %mul3A_89 : i32
    %dma_start3A_91 = arith.constant 1 : i32
    %dma_start3A_92 = arith.constant 0 : i32
    %dma_start3A_93 = arith.constant 0 : i32
    %dma_start3A_94 = tpu.memref_slice %arg6[%dma_start3A_91, %dma_start3A_92, %dma_start3A_93] : memref<4x128x128xf32, #tpu.memory_space<vmem>> -> memref<1x128x128xf32, #tpu.memory_space<vmem>>
    %dma_start3A_95 = tpu.memref_squeeze %dma_start3A_94 : memref<1x128x128xf32, #tpu.memory_space<vmem>> -> memref<128x128xf32, #tpu.memory_space<vmem>>
    %dma_start3A_96 = arith.constant 0 : i32
    %dma_start3A_97 = tpu.memref_slice %arg4[%add3A_90, %dma_start3A_96] : memref<16384x128xf32, #tpu.memory_space<hbm>> -> memref<128x128xf32, #tpu.memory_space<hbm>>
    %dma_start3A_98 = arith.constant 0 : i32
    %dma_start3A_99 = tpu.memref_slice %arg4[%add3A_90, %dma_start3A_98] : memref<16384x128xf32, #tpu.memory_space<hbm>> -> memref<128x128xf32, #tpu.memory_space<hbm>>
    %dma_start3A_100 = arith.constant 0 : i32
    %dma_start3A_101 = arith.constant 0 : i32
    %dma_start3A_102 = tpu.memref_slice %arg6[%dma_start3A_91, %dma_start3A_100, %dma_start3A_101] : memref<4x128x128xf32, #tpu.memory_space<vmem>> -> memref<1x128x128xf32, #tpu.memory_space<vmem>>
    %dma_start3A_103 = tpu.memref_squeeze %dma_start3A_102 : memref<1x128x128xf32, #tpu.memory_space<vmem>> -> memref<128x128xf32, #tpu.memory_space<vmem>>
    tpu.enqueue_dma source(%dma_start3A_103 : memref<128x128xf32, #tpu.memory_space<vmem>>) target(%dma_start3A_99 : memref<128x128xf32, #tpu.memory_space<hbm>>) target_semaphore(%arg12 : memref<!tpu.dma_semaphore, #tpu.memory_space<semaphore_mem>>)
    %mul3A_104 = arith.constant 4 : i32
    %mul3A_105 = arith.muli %scan3A_42, %mul3A_104 : i32
    %add3A_106 = arith.constant 2 : i32
    %add3A_107 = arith.addi %mul3A_105, %add3A_106 : i32
    %mul3A_108 = arith.constant 128 : i32
    %mul3A_109 = arith.muli %add3A_107, %mul3A_108 : i32
    %dma_wait3A_110 = arith.constant 2 : i32
    %dma_wait3A_111 = arith.constant 0 : i32
    %dma_wait3A_112 = arith.constant 0 : i32
    %dma_wait3A_113 = tpu.memref_slice %arg6[%dma_wait3A_110, %dma_wait3A_111, %dma_wait3A_112] : memref<4x128x128xf32, #tpu.memory_space<vmem>> -> memref<1x128x128xf32, #tpu.memory_space<vmem>>
    %dma_wait3A_114 = tpu.memref_squeeze %dma_wait3A_113 : memref<1x128x128xf32, #tpu.memory_space<vmem>> -> memref<128x128xf32, #tpu.memory_space<vmem>>
    %dma_wait3A_115 = tpu.memref_slice %arg5[%mul3A_109] : memref<512xi32, #tpu.memory_space<vmem>> -> memref<128xi32, #tpu.memory_space<vmem>>
    %dma_wait3A_116 = arith.constant 0 : i32
    %dma_wait3A_117 = arith.constant 0 : i32
    %dma_wait3A_118 = tpu.memref_slice %arg2[%dma_wait3A_116, %dma_wait3A_117] : memref<10240x128xf32, #tpu.memory_space<hbm>> -> memref<10240x128xf32, #tpu.memory_space<hbm>>
    tpu.wait_indirect_dma semaphore(%arg9 : memref<!tpu.dma_semaphore, #tpu.memory_space<semaphore_mem>>) src(%dma_wait3A_118 : memref<10240x128xf32, #tpu.memory_space<hbm>>) dst(%dma_wait3A_114 : memref<128x128xf32, #tpu.memory_space<vmem>>)
    %mul3A_119 = arith.constant 128 : i32
    %mul3A_120 = arith.muli %add3A_107, %mul3A_119 : i32
    %add3A_121 = arith.addi %mul3A_2, %mul3A_120 : i32
    %dma_start3A_122 = arith.constant 2 : i32
    %dma_start3A_123 = arith.constant 0 : i32
    %dma_start3A_124 = arith.constant 0 : i32
    %dma_start3A_125 = tpu.memref_slice %arg6[%dma_start3A_122, %dma_start3A_123, %dma_start3A_124] : memref<4x128x128xf32, #tpu.memory_space<vmem>> -> memref<1x128x128xf32, #tpu.memory_space<vmem>>
    %dma_start3A_126 = tpu.memref_squeeze %dma_start3A_125 : memref<1x128x128xf32, #tpu.memory_space<vmem>> -> memref<128x128xf32, #tpu.memory_space<vmem>>
    %dma_start3A_127 = arith.constant 0 : i32
    %dma_start3A_128 = tpu.memref_slice %arg4[%add3A_121, %dma_start3A_127] : memref<16384x128xf32, #tpu.memory_space<hbm>> -> memref<128x128xf32, #tpu.memory_space<hbm>>
    %dma_start3A_129 = arith.constant 0 : i32
    %dma_start3A_130 = tpu.memref_slice %arg4[%add3A_121, %dma_start3A_129] : memref<16384x128xf32, #tpu.memory_space<hbm>> -> memref<128x128xf32, #tpu.memory_space<hbm>>
    %dma_start3A_131 = arith.constant 0 : i32
    %dma_start3A_132 = arith.constant 0 : i32
    %dma_start3A_133 = tpu.memref_slice %arg6[%dma_start3A_122, %dma_start3A_131, %dma_start3A_132] : memref<4x128x128xf32, #tpu.memory_space<vmem>> -> memref<1x128x128xf32, #tpu.memory_space<vmem>>
    %dma_start3A_134 = tpu.memref_squeeze %dma_start3A_133 : memref<1x128x128xf32, #tpu.memory_space<vmem>> -> memref<128x128xf32, #tpu.memory_space<vmem>>
    tpu.enqueue_dma source(%dma_start3A_134 : memref<128x128xf32, #tpu.memory_space<vmem>>) target(%dma_start3A_130 : memref<128x128xf32, #tpu.memory_space<hbm>>) target_semaphore(%arg13 : memref<!tpu.dma_semaphore, #tpu.memory_space<semaphore_mem>>)
    %mul3A_135 = arith.constant 4 : i32
    %mul3A_136 = arith.muli %scan3A_42, %mul3A_135 : i32
    %add3A_137 = arith.constant 3 : i32
    %add3A_138 = arith.addi %mul3A_136, %add3A_137 : i32
    %mul3A_139 = arith.constant 128 : i32
    %mul3A_140 = arith.muli %add3A_138, %mul3A_139 : i32
    %dma_wait3A_141 = arith.constant 3 : i32
    %dma_wait3A_142 = arith.constant 0 : i32
    %dma_wait3A_143 = arith.constant 0 : i32
    %dma_wait3A_144 = tpu.memref_slice %arg6[%dma_wait3A_141, %dma_wait3A_142, %dma_wait3A_143] : memref<4x128x128xf32, #tpu.memory_space<vmem>> -> memref<1x128x128xf32, #tpu.memory_space<vmem>>
    %dma_wait3A_145 = tpu.memref_squeeze %dma_wait3A_144 : memref<1x128x128xf32, #tpu.memory_space<vmem>> -> memref<128x128xf32, #tpu.memory_space<vmem>>
    %dma_wait3A_146 = tpu.memref_slice %arg5[%mul3A_140] : memref<512xi32, #tpu.memory_space<vmem>> -> memref<128xi32, #tpu.memory_space<vmem>>
    %dma_wait3A_147 = arith.constant 0 : i32
    %dma_wait3A_148 = arith.constant 0 : i32
    %dma_wait3A_149 = tpu.memref_slice %arg2[%dma_wait3A_147, %dma_wait3A_148] : memref<10240x128xf32, #tpu.memory_space<hbm>> -> memref<10240x128xf32, #tpu.memory_space<hbm>>
    tpu.wait_indirect_dma semaphore(%arg10 : memref<!tpu.dma_semaphore, #tpu.memory_space<semaphore_mem>>) src(%dma_wait3A_149 : memref<10240x128xf32, #tpu.memory_space<hbm>>) dst(%dma_wait3A_145 : memref<128x128xf32, #tpu.memory_space<vmem>>)
    %mul3A_150 = arith.constant 128 : i32
    %mul3A_151 = arith.muli %add3A_138, %mul3A_150 : i32
    %add3A_152 = arith.addi %mul3A_2, %mul3A_151 : i32
    %dma_start3A_153 = arith.constant 3 : i32
    %dma_start3A_154 = arith.constant 0 : i32
    %dma_start3A_155 = arith.constant 0 : i32
    %dma_start3A_156 = tpu.memref_slice %arg6[%dma_start3A_153, %dma_start3A_154, %dma_start3A_155] : memref<4x128x128xf32, #tpu.memory_space<vmem>> -> memref<1x128x128xf32, #tpu.memory_space<vmem>>
    %dma_start3A_157 = tpu.memref_squeeze %dma_start3A_156 : memref<1x128x128xf32, #tpu.memory_space<vmem>> -> memref<128x128xf32, #tpu.memory_space<vmem>>
    %dma_start3A_158 = arith.constant 0 : i32
    %dma_start3A_159 = tpu.memref_slice %arg4[%add3A_152, %dma_start3A_158] : memref<16384x128xf32, #tpu.memory_space<hbm>> -> memref<128x128xf32, #tpu.memory_space<hbm>>
    %dma_start3A_160 = arith.constant 0 : i32
    %dma_start3A_161 = tpu.memref_slice %arg4[%add3A_152, %dma_start3A_160] : memref<16384x128xf32, #tpu.memory_space<hbm>> -> memref<128x128xf32, #tpu.memory_space<hbm>>
    %dma_start3A_162 = arith.constant 0 : i32
    %dma_start3A_163 = arith.constant 0 : i32
    %dma_start3A_164 = tpu.memref_slice %arg6[%dma_start3A_153, %dma_start3A_162, %dma_start3A_163] : memref<4x128x128xf32, #tpu.memory_space<vmem>> -> memref<1x128x128xf32, #tpu.memory_space<vmem>>
    %dma_start3A_165 = tpu.memref_squeeze %dma_start3A_164 : memref<1x128x128xf32, #tpu.memory_space<vmem>> -> memref<128x128xf32, #tpu.memory_space<vmem>>
    tpu.enqueue_dma source(%dma_start3A_165 : memref<128x128xf32, #tpu.memory_space<vmem>>) target(%dma_start3A_161 : memref<128x128xf32, #tpu.memory_space<hbm>>) target_semaphore(%arg14 : memref<!tpu.dma_semaphore, #tpu.memory_space<semaphore_mem>>)
    %add3A_166 = arith.constant 1 : i32
    %add3A_167 = arith.addi %scan3A_42, %add3A_166 : i32
    %mul3A_168 = arith.constant 4 : i32
    %mul3A_169 = arith.muli %add3A_167, %mul3A_168 : i32
    %add3A_170 = arith.constant 0 : i32
    %add3A_171 = arith.addi %mul3A_169, %add3A_170 : i32
    %lt3A = arith.constant 4 : i32
    %lt3A_172 = arith.cmpi slt, %add3A_171, %lt3A : i32
    %convert_element_type3A = arith.extui %lt3A_172 : i1 to i32
    %cond3A = arith.constant 0 : i32
    %cond3A_173 = arith.cmpi ne, %convert_element_type3A, %cond3A : i32
    scf.if %cond3A_173 {
      %sub3A = arith.constant 4 : i32
      %sub3A_268 = arith.subi %add3A_171, %sub3A : i32
      %mul3A_269 = arith.constant 128 : i32
      %mul3A_270 = arith.muli %sub3A_268, %mul3A_269 : i32
      %add3A_271 = arith.addi %mul3A_2, %mul3A_270 : i32
      %dma_wait3A_272 = arith.constant 0 : i32
      %dma_wait3A_273 = arith.constant 0 : i32
      %dma_wait3A_274 = arith.constant 0 : i32
      %dma_wait3A_275 = tpu.memref_slice %arg6[%dma_wait3A_272, %dma_wait3A_273, %dma_wait3A_274] : memref<4x128x128xf32, #tpu.memory_space<vmem>> -> memref<1x128x128xf32, #tpu.memory_space<vmem>>
      %dma_wait3A_276 = tpu.memref_squeeze %dma_wait3A_275 : memref<1x128x128xf32, #tpu.memory_space<vmem>> -> memref<128x128xf32, #tpu.memory_space<vmem>>
      %dma_wait3A_277 = arith.constant 0 : i32
      %dma_wait3A_278 = tpu.memref_slice %arg4[%add3A_271, %dma_wait3A_277] : memref<16384x128xf32, #tpu.memory_space<hbm>> -> memref<128x128xf32, #tpu.memory_space<hbm>>
      %dma_wait3A_279 = arith.constant 0 : i32
      %dma_wait3A_280 = tpu.memref_slice %arg4[%add3A_271, %dma_wait3A_279] : memref<16384x128xf32, #tpu.memory_space<hbm>> -> memref<128x128xf32, #tpu.memory_space<hbm>>
      %dma_wait3A_281 = arith.constant 0 : i32
      %dma_wait3A_282 = arith.constant 0 : i32
      %dma_wait3A_283 = tpu.memref_slice %arg6[%dma_wait3A_272, %dma_wait3A_281, %dma_wait3A_282] : memref<4x128x128xf32, #tpu.memory_space<vmem>> -> memref<1x128x128xf32, #tpu.memory_space<vmem>>
      %dma_wait3A_284 = tpu.memref_squeeze %dma_wait3A_283 : memref<1x128x128xf32, #tpu.memory_space<vmem>> -> memref<128x128xf32, #tpu.memory_space<vmem>>
      tpu.wait_dma2 semaphore(%arg11 : memref<!tpu.dma_semaphore, #tpu.memory_space<semaphore_mem>>) src(%dma_wait3A_284 : memref<128x128xf32, #tpu.memory_space<vmem>>) dst(%dma_wait3A_280 : memref<128x128xf32, #tpu.memory_space<hbm>>)
      %mul3A_285 = arith.constant 128 : i32
      %mul3A_286 = arith.muli %add3A_171, %mul3A_285 : i32
      %dma_start3A_287 = arith.constant 0 : i32
      %dma_start3A_288 = arith.constant 0 : i32
      %dma_start3A_289 = arith.constant 0 : i32
      %dma_start3A_290 = tpu.memref_slice %arg6[%dma_start3A_287, %dma_start3A_288, %dma_start3A_289] : memref<4x128x128xf32, #tpu.memory_space<vmem>> -> memref<1x128x128xf32, #tpu.memory_space<vmem>>
      %dma_start3A_291 = tpu.memref_squeeze %dma_start3A_290 : memref<1x128x128xf32, #tpu.memory_space<vmem>> -> memref<128x128xf32, #tpu.memory_space<vmem>>
      %dma_start3A_292 = tpu.memref_slice %arg5[%mul3A_286] : memref<512xi32, #tpu.memory_space<vmem>> -> memref<128xi32, #tpu.memory_space<vmem>>
      %dma_start3A_293 = arith.constant 0 : i32
      %dma_start3A_294 = arith.constant 0 : i32
      %dma_start3A_295 = tpu.memref_slice %arg2[%dma_start3A_293, %dma_start3A_294] : memref<10240x128xf32, #tpu.memory_space<hbm>> -> memref<10240x128xf32, #tpu.memory_space<hbm>>
      tpu.enqueue_indirect_dma source(%dma_start3A_295 : memref<10240x128xf32, #tpu.memory_space<hbm>>) target(%dma_start3A_291 : memref<128x128xf32, #tpu.memory_space<vmem>>) offsets(%dma_start3A_292 : memref<128xi32, #tpu.memory_space<vmem>>) semaphore(%arg7 : memref<!tpu.dma_semaphore, #tpu.memory_space<semaphore_mem>>)
    } else {
    }
    %add3A_174 = arith.constant 1 : i32
    %add3A_175 = arith.addi %scan3A_42, %add3A_174 : i32
    %mul3A_176 = arith.constant 4 : i32
    %mul3A_177 = arith.muli %add3A_175, %mul3A_176 : i32
    %add3A_178 = arith.constant 1 : i32
    %add3A_179 = arith.addi %mul3A_177, %add3A_178 : i32
    %lt3A_180 = arith.constant 4 : i32
    %lt3A_181 = arith.cmpi slt, %add3A_179, %lt3A_180 : i32
    %convert_element_type3A_182 = arith.extui %lt3A_181 : i1 to i32
    %cond3A_183 = arith.constant 0 : i32
    %cond3A_184 = arith.cmpi ne, %convert_element_type3A_182, %cond3A_183 : i32
    scf.if %cond3A_184 {
      %sub3A = arith.constant 4 : i32
      %sub3A_268 = arith.subi %add3A_179, %sub3A : i32
      %mul3A_269 = arith.constant 128 : i32
      %mul3A_270 = arith.muli %sub3A_268, %mul3A_269 : i32
      %add3A_271 = arith.addi %mul3A_2, %mul3A_270 : i32
      %dma_wait3A_272 = arith.constant 1 : i32
      %dma_wait3A_273 = arith.constant 0 : i32
      %dma_wait3A_274 = arith.constant 0 : i32
      %dma_wait3A_275 = tpu.memref_slice %arg6[%dma_wait3A_272, %dma_wait3A_273, %dma_wait3A_274] : memref<4x128x128xf32, #tpu.memory_space<vmem>> -> memref<1x128x128xf32, #tpu.memory_space<vmem>>
      %dma_wait3A_276 = tpu.memref_squeeze %dma_wait3A_275 : memref<1x128x128xf32, #tpu.memory_space<vmem>> -> memref<128x128xf32, #tpu.memory_space<vmem>>
      %dma_wait3A_277 = arith.constant 0 : i32
      %dma_wait3A_278 = tpu.memref_slice %arg4[%add3A_271, %dma_wait3A_277] : memref<16384x128xf32, #tpu.memory_space<hbm>> -> memref<128x128xf32, #tpu.memory_space<hbm>>
      %dma_wait3A_279 = arith.constant 0 : i32
      %dma_wait3A_280 = tpu.memref_slice %arg4[%add3A_271, %dma_wait3A_279] : memref<16384x128xf32, #tpu.memory_space<hbm>> -> memref<128x128xf32, #tpu.memory_space<hbm>>
      %dma_wait3A_281 = arith.constant 0 : i32
      %dma_wait3A_282 = arith.constant 0 : i32
      %dma_wait3A_283 = tpu.memref_slice %arg6[%dma_wait3A_272, %dma_wait3A_281, %dma_wait3A_282] : memref<4x128x128xf32, #tpu.memory_space<vmem>> -> memref<1x128x128xf32, #tpu.memory_space<vmem>>
      %dma_wait3A_284 = tpu.memref_squeeze %dma_wait3A_283 : memref<1x128x128xf32, #tpu.memory_space<vmem>> -> memref<128x128xf32, #tpu.memory_space<vmem>>
      tpu.wait_dma2 semaphore(%arg12 : memref<!tpu.dma_semaphore, #tpu.memory_space<semaphore_mem>>) src(%dma_wait3A_284 : memref<128x128xf32, #tpu.memory_space<vmem>>) dst(%dma_wait3A_280 : memref<128x128xf32, #tpu.memory_space<hbm>>)
      %mul3A_285 = arith.constant 128 : i32
      %mul3A_286 = arith.muli %add3A_179, %mul3A_285 : i32
      %dma_start3A_287 = arith.constant 1 : i32
      %dma_start3A_288 = arith.constant 0 : i32
      %dma_start3A_289 = arith.constant 0 : i32
      %dma_start3A_290 = tpu.memref_slice %arg6[%dma_start3A_287, %dma_start3A_288, %dma_start3A_289] : memref<4x128x128xf32, #tpu.memory_space<vmem>> -> memref<1x128x128xf32, #tpu.memory_space<vmem>>
      %dma_start3A_291 = tpu.memref_squeeze %dma_start3A_290 : memref<1x128x128xf32, #tpu.memory_space<vmem>> -> memref<128x128xf32, #tpu.memory_space<vmem>>
      %dma_start3A_292 = tpu.memref_slice %arg5[%mul3A_286] : memref<512xi32, #tpu.memory_space<vmem>> -> memref<128xi32, #tpu.memory_space<vmem>>
      %dma_start3A_293 = arith.constant 0 : i32
      %dma_start3A_294 = arith.constant 0 : i32
      %dma_start3A_295 = tpu.memref_slice %arg2[%dma_start3A_293, %dma_start3A_294] : memref<10240x128xf32, #tpu.memory_space<hbm>> -> memref<10240x128xf32, #tpu.memory_space<hbm>>
      tpu.enqueue_indirect_dma source(%dma_start3A_295 : memref<10240x128xf32, #tpu.memory_space<hbm>>) target(%dma_start3A_291 : memref<128x128xf32, #tpu.memory_space<vmem>>) offsets(%dma_start3A_292 : memref<128xi32, #tpu.memory_space<vmem>>) semaphore(%arg8 : memref<!tpu.dma_semaphore, #tpu.memory_space<semaphore_mem>>)
    } else {
    }
    %add3A_185 = arith.constant 1 : i32
    %add3A_186 = arith.addi %scan3A_42, %add3A_185 : i32
    %mul3A_187 = arith.constant 4 : i32
    %mul3A_188 = arith.muli %add3A_186, %mul3A_187 : i32
    %add3A_189 = arith.constant 2 : i32
    %add3A_190 = arith.addi %mul3A_188, %add3A_189 : i32
    %lt3A_191 = arith.constant 4 : i32
    %lt3A_192 = arith.cmpi slt, %add3A_190, %lt3A_191 : i32
    %convert_element_type3A_193 = arith.extui %lt3A_192 : i1 to i32
    %cond3A_194 = arith.constant 0 : i32
    %cond3A_195 = arith.cmpi ne, %convert_element_type3A_193, %cond3A_194 : i32
    scf.if %cond3A_195 {
      %sub3A = arith.constant 4 : i32
      %sub3A_268 = arith.subi %add3A_190, %sub3A : i32
      %mul3A_269 = arith.constant 128 : i32
      %mul3A_270 = arith.muli %sub3A_268, %mul3A_269 : i32
      %add3A_271 = arith.addi %mul3A_2, %mul3A_270 : i32
      %dma_wait3A_272 = arith.constant 2 : i32
      %dma_wait3A_273 = arith.constant 0 : i32
      %dma_wait3A_274 = arith.constant 0 : i32
      %dma_wait3A_275 = tpu.memref_slice %arg6[%dma_wait3A_272, %dma_wait3A_273, %dma_wait3A_274] : memref<4x128x128xf32, #tpu.memory_space<vmem>> -> memref<1x128x128xf32, #tpu.memory_space<vmem>>
      %dma_wait3A_276 = tpu.memref_squeeze %dma_wait3A_275 : memref<1x128x128xf32, #tpu.memory_space<vmem>> -> memref<128x128xf32, #tpu.memory_space<vmem>>
      %dma_wait3A_277 = arith.constant 0 : i32
      %dma_wait3A_278 = tpu.memref_slice %arg4[%add3A_271, %dma_wait3A_277] : memref<16384x128xf32, #tpu.memory_space<hbm>> -> memref<128x128xf32, #tpu.memory_space<hbm>>
      %dma_wait3A_279 = arith.constant 0 : i32
      %dma_wait3A_280 = tpu.memref_slice %arg4[%add3A_271, %dma_wait3A_279] : memref<16384x128xf32, #tpu.memory_space<hbm>> -> memref<128x128xf32, #tpu.memory_space<hbm>>
      %dma_wait3A_281 = arith.constant 0 : i32
      %dma_wait3A_282 = arith.constant 0 : i32
      %dma_wait3A_283 = tpu.memref_slice %arg6[%dma_wait3A_272, %dma_wait3A_281, %dma_wait3A_282] : memref<4x128x128xf32, #tpu.memory_space<vmem>> -> memref<1x128x128xf32, #tpu.memory_space<vmem>>
      %dma_wait3A_284 = tpu.memref_squeeze %dma_wait3A_283 : memref<1x128x128xf32, #tpu.memory_space<vmem>> -> memref<128x128xf32, #tpu.memory_space<vmem>>
      tpu.wait_dma2 semaphore(%arg13 : memref<!tpu.dma_semaphore, #tpu.memory_space<semaphore_mem>>) src(%dma_wait3A_284 : memref<128x128xf32, #tpu.memory_space<vmem>>) dst(%dma_wait3A_280 : memref<128x128xf32, #tpu.memory_space<hbm>>)
      %mul3A_285 = arith.constant 128 : i32
      %mul3A_286 = arith.muli %add3A_190, %mul3A_285 : i32
      %dma_start3A_287 = arith.constant 2 : i32
      %dma_start3A_288 = arith.constant 0 : i32
      %dma_start3A_289 = arith.constant 0 : i32
      %dma_start3A_290 = tpu.memref_slice %arg6[%dma_start3A_287, %dma_start3A_288, %dma_start3A_289] : memref<4x128x128xf32, #tpu.memory_space<vmem>> -> memref<1x128x128xf32, #tpu.memory_space<vmem>>
      %dma_start3A_291 = tpu.memref_squeeze %dma_start3A_290 : memref<1x128x128xf32, #tpu.memory_space<vmem>> -> memref<128x128xf32, #tpu.memory_space<vmem>>
      %dma_start3A_292 = tpu.memref_slice %arg5[%mul3A_286] : memref<512xi32, #tpu.memory_space<vmem>> -> memref<128xi32, #tpu.memory_space<vmem>>
      %dma_start3A_293 = arith.constant 0 : i32
      %dma_start3A_294 = arith.constant 0 : i32
      %dma_start3A_295 = tpu.memref_slice %arg2[%dma_start3A_293, %dma_start3A_294] : memref<10240x128xf32, #tpu.memory_space<hbm>> -> memref<10240x128xf32, #tpu.memory_space<hbm>>
      tpu.enqueue_indirect_dma source(%dma_start3A_295 : memref<10240x128xf32, #tpu.memory_space<hbm>>) target(%dma_start3A_291 : memref<128x128xf32, #tpu.memory_space<vmem>>) offsets(%dma_start3A_292 : memref<128xi32, #tpu.memory_space<vmem>>) semaphore(%arg9 : memref<!tpu.dma_semaphore, #tpu.memory_space<semaphore_mem>>)
    } else {
    }
    %add3A_196 = arith.constant 1 : i32
    %add3A_197 = arith.addi %scan3A_42, %add3A_196 : i32
    %mul3A_198 = arith.constant 4 : i32
    %mul3A_199 = arith.muli %add3A_197, %mul3A_198 : i32
    %add3A_200 = arith.constant 3 : i32
    %add3A_201 = arith.addi %mul3A_199, %add3A_200 : i32
    %lt3A_202 = arith.constant 4 : i32
    %lt3A_203 = arith.cmpi slt, %add3A_201, %lt3A_202 : i32
    %convert_element_type3A_204 = arith.extui %lt3A_203 : i1 to i32
    %cond3A_205 = arith.constant 0 : i32
    %cond3A_206 = arith.cmpi ne, %convert_element_type3A_204, %cond3A_205 : i32
    scf.if %cond3A_206 {
      %sub3A = arith.constant 4 : i32
      %sub3A_268 = arith.subi %add3A_201, %sub3A : i32
      %mul3A_269 = arith.constant 128 : i32
      %mul3A_270 = arith.muli %sub3A_268, %mul3A_269 : i32
      %add3A_271 = arith.addi %mul3A_2, %mul3A_270 : i32
      %dma_wait3A_272 = arith.constant 3 : i32
      %dma_wait3A_273 = arith.constant 0 : i32
      %dma_wait3A_274 = arith.constant 0 : i32
      %dma_wait3A_275 = tpu.memref_slice %arg6[%dma_wait3A_272, %dma_wait3A_273, %dma_wait3A_274] : memref<4x128x128xf32, #tpu.memory_space<vmem>> -> memref<1x128x128xf32, #tpu.memory_space<vmem>>
      %dma_wait3A_276 = tpu.memref_squeeze %dma_wait3A_275 : memref<1x128x128xf32, #tpu.memory_space<vmem>> -> memref<128x128xf32, #tpu.memory_space<vmem>>
      %dma_wait3A_277 = arith.constant 0 : i32
      %dma_wait3A_278 = tpu.memref_slice %arg4[%add3A_271, %dma_wait3A_277] : memref<16384x128xf32, #tpu.memory_space<hbm>> -> memref<128x128xf32, #tpu.memory_space<hbm>>
      %dma_wait3A_279 = arith.constant 0 : i32
      %dma_wait3A_280 = tpu.memref_slice %arg4[%add3A_271, %dma_wait3A_279] : memref<16384x128xf32, #tpu.memory_space<hbm>> -> memref<128x128xf32, #tpu.memory_space<hbm>>
      %dma_wait3A_281 = arith.constant 0 : i32
      %dma_wait3A_282 = arith.constant 0 : i32
      %dma_wait3A_283 = tpu.memref_slice %arg6[%dma_wait3A_272, %dma_wait3A_281, %dma_wait3A_282] : memref<4x128x128xf32, #tpu.memory_space<vmem>> -> memref<1x128x128xf32, #tpu.memory_space<vmem>>
      %dma_wait3A_284 = tpu.memref_squeeze %dma_wait3A_283 : memref<1x128x128xf32, #tpu.memory_space<vmem>> -> memref<128x128xf32, #tpu.memory_space<vmem>>
      tpu.wait_dma2 semaphore(%arg14 : memref<!tpu.dma_semaphore, #tpu.memory_space<semaphore_mem>>) src(%dma_wait3A_284 : memref<128x128xf32, #tpu.memory_space<vmem>>) dst(%dma_wait3A_280 : memref<128x128xf32, #tpu.memory_space<hbm>>)
      %mul3A_285 = arith.constant 128 : i32
      %mul3A_286 = arith.muli %add3A_201, %mul3A_285 : i32
      %dma_start3A_287 = arith.constant 3 : i32
      %dma_start3A_288 = arith.constant 0 : i32
      %dma_start3A_289 = arith.constant 0 : i32
      %dma_start3A_290 = tpu.memref_slice %arg6[%dma_start3A_287, %dma_start3A_288, %dma_start3A_289] : memref<4x128x128xf32, #tpu.memory_space<vmem>> -> memref<1x128x128xf32, #tpu.memory_space<vmem>>
      %dma_start3A_291 = tpu.memref_squeeze %dma_start3A_290 : memref<1x128x128xf32, #tpu.memory_space<vmem>> -> memref<128x128xf32, #tpu.memory_space<vmem>>
      %dma_start3A_292 = tpu.memref_slice %arg5[%mul3A_286] : memref<512xi32, #tpu.memory_space<vmem>> -> memref<128xi32, #tpu.memory_space<vmem>>
      %dma_start3A_293 = arith.constant 0 : i32
      %dma_start3A_294 = arith.constant 0 : i32
      %dma_start3A_295 = tpu.memref_slice %arg2[%dma_start3A_293, %dma_start3A_294] : memref<10240x128xf32, #tpu.memory_space<hbm>> -> memref<10240x128xf32, #tpu.memory_space<hbm>>
      tpu.enqueue_indirect_dma source(%dma_start3A_295 : memref<10240x128xf32, #tpu.memory_space<hbm>>) target(%dma_start3A_291 : memref<128x128xf32, #tpu.memory_space<vmem>>) offsets(%dma_start3A_292 : memref<128xi32, #tpu.memory_space<vmem>>) semaphore(%arg10 : memref<!tpu.dma_semaphore, #tpu.memory_space<semaphore_mem>>)
    } else {
    }
    %scan3A_207 = arith.constant 1 : i32
    %add3A_208 = arith.constant 0 : i32
    %add3A_209 = arith.addi %mul3A_2, %add3A_208 : i32
    %dma_wait3A_210 = arith.constant 0 : i32
    %dma_wait3A_211 = arith.constant 0 : i32
    %dma_wait3A_212 = arith.constant 0 : i32
    %dma_wait3A_213 = tpu.memref_slice %arg6[%dma_wait3A_210, %dma_wait3A_211, %dma_wait3A_212] : memref<4x128x128xf32, #tpu.memory_space<vmem>> -> memref<1x128x128xf32, #tpu.memory_space<vmem>>
    %dma_wait3A_214 = tpu.memref_squeeze %dma_wait3A_213 : memref<1x128x128xf32, #tpu.memory_space<vmem>> -> memref<128x128xf32, #tpu.memory_space<vmem>>
    %dma_wait3A_215 = arith.constant 0 : i32
    %dma_wait3A_216 = tpu.memref_slice %arg4[%add3A_209, %dma_wait3A_215] : memref<16384x128xf32, #tpu.memory_space<hbm>> -> memref<128x128xf32, #tpu.memory_space<hbm>>
    %dma_wait3A_217 = arith.constant 0 : i32
    %dma_wait3A_218 = tpu.memref_slice %arg4[%add3A_209, %dma_wait3A_217] : memref<16384x128xf32, #tpu.memory_space<hbm>> -> memref<128x128xf32, #tpu.memory_space<hbm>>
    %dma_wait3A_219 = arith.constant 0 : i32
    %dma_wait3A_220 = arith.constant 0 : i32
    %dma_wait3A_221 = tpu.memref_slice %arg6[%dma_wait3A_210, %dma_wait3A_219, %dma_wait3A_220] : memref<4x128x128xf32, #tpu.memory_space<vmem>> -> memref<1x128x128xf32, #tpu.memory_space<vmem>>
    %dma_wait3A_222 = tpu.memref_squeeze %dma_wait3A_221 : memref<1x128x128xf32, #tpu.memory_space<vmem>> -> memref<128x128xf32, #tpu.memory_space<vmem>>
    tpu.wait_dma2 semaphore(%arg11 : memref<!tpu.dma_semaphore, #tpu.memory_space<semaphore_mem>>) src(%dma_wait3A_222 : memref<128x128xf32, #tpu.memory_space<vmem>>) dst(%dma_wait3A_218 : memref<128x128xf32, #tpu.memory_space<hbm>>)
    %add3A_223 = arith.constant 128 : i32
    %add3A_224 = arith.addi %mul3A_2, %add3A_223 : i32
    %dma_wait3A_225 = arith.constant 1 : i32
    %dma_wait3A_226 = arith.constant 0 : i32
    %dma_wait3A_227 = arith.constant 0 : i32
    %dma_wait3A_228 = tpu.memref_slice %arg6[%dma_wait3A_225, %dma_wait3A_226, %dma_wait3A_227] : memref<4x128x128xf32, #tpu.memory_space<vmem>> -> memref<1x128x128xf32, #tpu.memory_space<vmem>>
    %dma_wait3A_229 = tpu.memref_squeeze %dma_wait3A_228 : memref<1x128x128xf32, #tpu.memory_space<vmem>> -> memref<128x128xf32, #tpu.memory_space<vmem>>
    %dma_wait3A_230 = arith.constant 0 : i32
    %dma_wait3A_231 = tpu.memref_slice %arg4[%add3A_224, %dma_wait3A_230] : memref<16384x128xf32, #tpu.memory_space<hbm>> -> memref<128x128xf32, #tpu.memory_space<hbm>>
    %dma_wait3A_232 = arith.constant 0 : i32
    %dma_wait3A_233 = tpu.memref_slice %arg4[%add3A_224, %dma_wait3A_232] : memref<16384x128xf32, #tpu.memory_space<hbm>> -> memref<128x128xf32, #tpu.memory_space<hbm>>
    %dma_wait3A_234 = arith.constant 0 : i32
    %dma_wait3A_235 = arith.constant 0 : i32
    %dma_wait3A_236 = tpu.memref_slice %arg6[%dma_wait3A_225, %dma_wait3A_234, %dma_wait3A_235] : memref<4x128x128xf32, #tpu.memory_space<vmem>> -> memref<1x128x128xf32, #tpu.memory_space<vmem>>
    %dma_wait3A_237 = tpu.memref_squeeze %dma_wait3A_236 : memref<1x128x128xf32, #tpu.memory_space<vmem>> -> memref<128x128xf32, #tpu.memory_space<vmem>>
    tpu.wait_dma2 semaphore(%arg12 : memref<!tpu.dma_semaphore, #tpu.memory_space<semaphore_mem>>) src(%dma_wait3A_237 : memref<128x128xf32, #tpu.memory_space<vmem>>) dst(%dma_wait3A_233 : memref<128x128xf32, #tpu.memory_space<hbm>>)
    %add3A_238 = arith.constant 256 : i32
    %add3A_239 = arith.addi %mul3A_2, %add3A_238 : i32
    %dma_wait3A_240 = arith.constant 2 : i32
    %dma_wait3A_241 = arith.constant 0 : i32
    %dma_wait3A_242 = arith.constant 0 : i32
    %dma_wait3A_243 = tpu.memref_slice %arg6[%dma_wait3A_240, %dma_wait3A_241, %dma_wait3A_242] : memref<4x128x128xf32, #tpu.memory_space<vmem>> -> memref<1x128x128xf32, #tpu.memory_space<vmem>>
    %dma_wait3A_244 = tpu.memref_squeeze %dma_wait3A_243 : memref<1x128x128xf32, #tpu.memory_space<vmem>> -> memref<128x128xf32, #tpu.memory_space<vmem>>
    %dma_wait3A_245 = arith.constant 0 : i32
    %dma_wait3A_246 = tpu.memref_slice %arg4[%add3A_239, %dma_wait3A_245] : memref<16384x128xf32, #tpu.memory_space<hbm>> -> memref<128x128xf32, #tpu.memory_space<hbm>>
    %dma_wait3A_247 = arith.constant 0 : i32
    %dma_wait3A_248 = tpu.memref_slice %arg4[%add3A_239, %dma_wait3A_247] : memref<16384x128xf32, #tpu.memory_space<hbm>> -> memref<128x128xf32, #tpu.memory_space<hbm>>
    %dma_wait3A_249 = arith.constant 0 : i32
    %dma_wait3A_250 = arith.constant 0 : i32
    %dma_wait3A_251 = tpu.memref_slice %arg6[%dma_wait3A_240, %dma_wait3A_249, %dma_wait3A_250] : memref<4x128x128xf32, #tpu.memory_space<vmem>> -> memref<1x128x128xf32, #tpu.memory_space<vmem>>
    %dma_wait3A_252 = tpu.memref_squeeze %dma_wait3A_251 : memref<1x128x128xf32, #tpu.memory_space<vmem>> -> memref<128x128xf32, #tpu.memory_space<vmem>>
    tpu.wait_dma2 semaphore(%arg13 : memref<!tpu.dma_semaphore, #tpu.memory_space<semaphore_mem>>) src(%dma_wait3A_252 : memref<128x128xf32, #tpu.memory_space<vmem>>) dst(%dma_wait3A_248 : memref<128x128xf32, #tpu.memory_space<hbm>>)
    %add3A_253 = arith.constant 384 : i32
    %add3A_254 = arith.addi %mul3A_2, %add3A_253 : i32
    %dma_wait3A_255 = arith.constant 3 : i32
    %dma_wait3A_256 = arith.constant 0 : i32
    %dma_wait3A_257 = arith.constant 0 : i32
    %dma_wait3A_258 = tpu.memref_slice %arg6[%dma_wait3A_255, %dma_wait3A_256, %dma_wait3A_257] : memref<4x128x128xf32, #tpu.memory_space<vmem>> -> memref<1x128x128xf32, #tpu.memory_space<vmem>>
    %dma_wait3A_259 = tpu.memref_squeeze %dma_wait3A_258 : memref<1x128x128xf32, #tpu.memory_space<vmem>> -> memref<128x128xf32, #tpu.memory_space<vmem>>
    %dma_wait3A_260 = arith.constant 0 : i32
    %dma_wait3A_261 = tpu.memref_slice %arg4[%add3A_254, %dma_wait3A_260] : memref<16384x128xf32, #tpu.memory_space<hbm>> -> memref<128x128xf32, #tpu.memory_space<hbm>>
    %dma_wait3A_262 = arith.constant 0 : i32
    %dma_wait3A_263 = tpu.memref_slice %arg4[%add3A_254, %dma_wait3A_262] : memref<16384x128xf32, #tpu.memory_space<hbm>> -> memref<128x128xf32, #tpu.memory_space<hbm>>
    %dma_wait3A_264 = arith.constant 0 : i32
    %dma_wait3A_265 = arith.constant 0 : i32
    %dma_wait3A_266 = tpu.memref_slice %arg6[%dma_wait3A_255, %dma_wait3A_264, %dma_wait3A_265] : memref<4x128x128xf32, #tpu.memory_space<vmem>> -> memref<1x128x128xf32, #tpu.memory_space<vmem>>
    %dma_wait3A_267 = tpu.memref_squeeze %dma_wait3A_266 : memref<1x128x128xf32, #tpu.memory_space<vmem>> -> memref<128x128xf32, #tpu.memory_space<vmem>>
    tpu.wait_dma2 semaphore(%arg14 : memref<!tpu.dma_semaphore, #tpu.memory_space<semaphore_mem>>) src(%dma_wait3A_267 : memref<128x128xf32, #tpu.memory_space<vmem>>) dst(%dma_wait3A_263 : memref<128x128xf32, #tpu.memory_space<hbm>>)
    return
  }
}

module attributes {stable_mosaic.version = 14 : i64} {
  func.func @body(%arg0: i32, %arg1: memref<4096x128xf32, #tpu.memory_space<vmem>>, %arg2: memref<256x128xf32, #tpu.memory_space<vmem>>, %arg3: memref<256x64xf32, #tpu.memory_space<vmem>>, %arg4: memref<1x64xf32, #tpu.memory_space<vmem>>, %arg5: memref<1x64xf32, #tpu.memory_space<vmem>>, %arg6: memref<1x1xf32, #tpu.memory_space<vmem>>, %arg7: memref<256x128xf32, #tpu.memory_space<vmem>>) attributes {dimension_semantics = [#tpu.dimension_semantics<arbitrary>], iteration_bounds = array<i64: 40>, scalar_prefetch = 0 : i64, scratch_operands = 0 : i64, tpu.core_type = #tpu.core_type<tc>, window_params = [{transform_indices = @transform_0, window_bounds = array<i64: 4096, 128>}, {transform_indices = @transform_1, window_bounds = array<i64: 256, 128>}, {pipeline_mode = #tpu.pipeline_mode<synchronous>, transform_indices = @transform_2, window_bounds = array<i64: 256, 64>}, {pipeline_mode = #tpu.pipeline_mode<synchronous>, transform_indices = @transform_3, window_bounds = array<i64: 1, 64>}, {pipeline_mode = #tpu.pipeline_mode<synchronous>, transform_indices = @transform_4, window_bounds = array<i64: 1, 64>}, {pipeline_mode = #tpu.pipeline_mode<synchronous>, transform_indices = @transform_5, window_bounds = array<i64: 1, 1>}, {transform_indices = @transform_6, window_bounds = array<i64: 256, 128>}]} {
    %get3A = arith.constant 0 : index
    %get3A_0 = arith.constant 0 : index
    %get3A_1 = vector.load %arg1[%get3A, %get3A_0] : memref<4096x128xf32, #tpu.memory_space<vmem>>, vector<4096x128xf32>
    %get3A_2 = arith.constant 0 : index
    %get3A_3 = arith.constant 0 : index
    %get3A_4 = vector.load %arg2[%get3A_2, %get3A_3] : memref<256x128xf32, #tpu.memory_space<vmem>>, vector<256x128xf32>
    %get3A_5 = arith.constant 0 : index
    %get3A_6 = arith.constant 0 : index
    %get3A_7 = vector.load %arg3[%get3A_5, %get3A_6] : memref<256x64xf32, #tpu.memory_space<vmem>>, vector<256x64xf32>
    %slice3A = vector.extract_strided_slice %get3A_7 {offsets = [128, 0], sizes = [128, 64], strides = [1, 1]} : vector<256x64xf32> to vector<128x64xf32>
    %dot_general3A = arith.constant dense<0.000000e+00> : vector<256x64xf32>
    %dot_general3A_8 = tpu.matmul %get3A_4, %slice3A, %dot_general3A {dimension_numbers = #tpu.dot_dimension_numbers<[1], [0], [0], [1], [0, 0, 1, 1], [], []>, transpose_lhs_hint = false} : vector<256x128xf32>, vector<128x64xf32>, vector<256x64xf32> -> vector<256x64xf32>
    %get3A_9 = arith.constant 0 : index
    %get3A_10 = arith.constant 0 : index
    %get3A_11 = vector.load %arg4[%get3A_9, %get3A_10] : memref<1x64xf32, #tpu.memory_space<vmem>>, vector<1x64xf32>
    %add3A = vector.broadcast %get3A_11 : vector<1x64xf32> to vector<256x64xf32>
    %add3A_12 = arith.addf %dot_general3A_8, %add3A : vector<256x64xf32>
    %slice3A_13 = vector.extract_strided_slice %get3A_7 {offsets = [0, 0], sizes = [128, 64], strides = [1, 1]} : vector<256x64xf32> to vector<128x64xf32>
    %dot_general3A_14 = arith.constant dense<0.000000e+00> : vector<4096x64xf32>
    %dot_general3A_15 = tpu.matmul %get3A_1, %slice3A_13, %dot_general3A_14 {dimension_numbers = #tpu.dot_dimension_numbers<[1], [0], [0], [1], [0, 0, 1, 1], [], []>, transpose_lhs_hint = false} : vector<4096x128xf32>, vector<128x64xf32>, vector<4096x64xf32> -> vector<4096x64xf32>
    %reshape3A = vector.shape_cast %dot_general3A_15 : vector<4096x64xf32> to vector<256x16x64xf32>
    %broadcast_in_dim3A = vector.shape_cast %add3A_12 : vector<256x64xf32> to vector<256x1x64xf32>
    %add3A_16 = vector.broadcast %broadcast_in_dim3A : vector<256x1x64xf32> to vector<256x16x64xf32>
    %add3A_17 = arith.addf %reshape3A, %add3A_16 : vector<256x16x64xf32>
    %max3A = arith.constant 0.000000e+00 : f32
    %max3A_18 = vector.broadcast %max3A : f32 to vector<256x16x64xf32>
    %max3A_19 = arith.maximumf %add3A_17, %max3A_18 : vector<256x16x64xf32>
    %get3A_20 = arith.constant 0 : index
    %get3A_21 = arith.constant 0 : index
    %get3A_22 = vector.load %arg5[%get3A_20, %get3A_21] : memref<1x64xf32, #tpu.memory_space<vmem>>, vector<1x64xf32>
    %reshape3A_23 = vector.shape_cast %get3A_22 : vector<1x64xf32> to vector<1x1x64xf32>
    %mul3A = vector.broadcast %reshape3A_23 : vector<1x1x64xf32> to vector<256x16x64xf32>
    %mul3A_24 = arith.mulf %max3A_19, %mul3A : vector<256x16x64xf32>
    %reduce_sum3A = arith.constant dense<0.000000e+00> : vector<256x16xf32>
    %reduce_sum3A_25 = vector.multi_reduction <add>, %mul3A_24, %reduce_sum3A [2] : vector<256x16x64xf32> to vector<256x16xf32>
    %get3A_26 = arith.constant 0 : index
    %get3A_27 = arith.constant 0 : index
    %get3A_28 = vector.load %arg6[%get3A_26, %get3A_27] : memref<1x1xf32, #tpu.memory_space<vmem>>, vector<1x1xf32>
    %add3A_29 = vector.broadcast %get3A_28 : vector<1x1xf32> to vector<256x16xf32>
    %add3A_30 = arith.addf %reduce_sum3A_25, %add3A_29 : vector<256x16xf32>
    %reduce_max3A = arith.constant dense<0xFF800000> : vector<256xf32>
    %reduce_max3A_31 = vector.multi_reduction <maximumf>, %add3A_30, %reduce_max3A [1] : vector<256x16xf32> to vector<256xf32>
    %max3A_32 = arith.constant 0xFF800000 : f32
    %max3A_33 = vector.broadcast %max3A_32 : f32 to vector<256xf32>
    %max3A_34 = arith.maximumf %max3A_33, %reduce_max3A_31 : vector<256xf32>
    %broadcast_in_dim3A_35 = vector.shape_cast %max3A_34 : vector<256xf32> to vector<256x1xf32>
    %sub3A = vector.broadcast %broadcast_in_dim3A_35 : vector<256x1xf32> to vector<256x16xf32>
    %sub3A_36 = arith.subf %add3A_30, %sub3A : vector<256x16xf32>
    %exp3A = math.exp %sub3A_36 : vector<256x16xf32>
    %reduce_sum3A_37 = arith.constant dense<0.000000e+00> : vector<256xf32>
    %reduce_sum3A_38 = vector.multi_reduction <add>, %exp3A, %reduce_sum3A_37 [1] : vector<256x16xf32> to vector<256xf32>
    %broadcast_in_dim3A_39 = vector.shape_cast %reduce_sum3A_38 : vector<256xf32> to vector<256x1xf32>
    %div3A = vector.broadcast %broadcast_in_dim3A_39 : vector<256x1xf32> to vector<256x16xf32>
    %div3A_40 = arith.divf %exp3A, %div3A : vector<256x16xf32>
    %reshape3A_41 = vector.shape_cast %get3A_1 : vector<4096x128xf32> to vector<256x16x128xf32>
    %broadcast_in_dim3A_42 = vector.shape_cast %div3A_40 : vector<256x16xf32> to vector<256x16x1xf32>
    %mul3A_43 = vector.broadcast %broadcast_in_dim3A_42 : vector<256x16x1xf32> to vector<256x16x128xf32>
    %mul3A_44 = arith.mulf %mul3A_43, %reshape3A_41 : vector<256x16x128xf32>
    %reduce_sum3A_45 = arith.constant dense<0.000000e+00> : vector<256x128xf32>
    %reduce_sum3A_46 = vector.multi_reduction <add>, %mul3A_44, %reduce_sum3A_45 [1] : vector<256x16x128xf32> to vector<256x128xf32>
    %add3A_47 = arith.addf %reduce_sum3A_46, %get3A_4 : vector<256x128xf32>
    %swap3A = arith.constant 0 : index
    %swap3A_48 = arith.constant 0 : index
    %swap3A_49 = vector.load %arg7[%swap3A, %swap3A_48] : memref<256x128xf32, #tpu.memory_space<vmem>>, vector<256x128xf32>
    tpu.vector_store %arg7[%swap3A, %swap3A_48], %add3A_47 {strides = array<i32>} : memref<256x128xf32, #tpu.memory_space<vmem>>, vector<256x128xf32>,
    return
  }
  func.func @transform_0(%arg0: i32) -> (i32, i32) {
    %c0_i32 = arith.constant 0 : i32
    %c0_i32_0 = arith.constant 0 : i32
    return %arg0, %c0_i32 : i32, i32
  }
  func.func @transform_1(%arg0: i32) -> (i32, i32) {
    %c0_i32 = arith.constant 0 : i32
    %c0_i32_0 = arith.constant 0 : i32
    return %arg0, %c0_i32 : i32, i32
  }
  func.func @transform_2(%arg0: i32) -> (i32, i32) {
    %c0_i32 = arith.constant 0 : i32
    %c0_i32_0 = arith.constant 0 : i32
    %c0_i32_1 = arith.constant 0 : i32
    return %c0_i32, %c0_i32_0 : i32, i32
  }
  func.func @transform_3(%arg0: i32) -> (i32, i32) {
    %c0_i32 = arith.constant 0 : i32
    %c0_i32_0 = arith.constant 0 : i32
    %c0_i32_1 = arith.constant 0 : i32
    return %c0_i32, %c0_i32_0 : i32, i32
  }
  func.func @transform_4(%arg0: i32) -> (i32, i32) {
    %c0_i32 = arith.constant 0 : i32
    %c0_i32_0 = arith.constant 0 : i32
    %c0_i32_1 = arith.constant 0 : i32
    return %c0_i32, %c0_i32_0 : i32, i32
  }
  func.func @transform_5(%arg0: i32) -> (i32, i32) {
    %c0_i32 = arith.constant 0 : i32
    %c0_i32_0 = arith.constant 0 : i32
    %c0_i32_1 = arith.constant 0 : i32
    return %c0_i32, %c0_i32_0 : i32, i32
  }
  func.func @transform_6(%arg0: i32) -> (i32, i32) {
    %c0_i32 = arith.constant 0 : i32
    %c0_i32_0 = arith.constant 0 : i32
    return %arg0, %c0_i32 : i32, i32
  }
}

module attributes {stable_mosaic.version = 14 : i64} {
  func.func @body(%arg0: memref<1024x16x128xf32, #tpu.memory_space<vmem>>, %arg1: memref<1024x128xf32, #tpu.memory_space<vmem>>, %arg2: memref<1x128xf32, #tpu.memory_space<vmem>>, %arg3: memref<128x1xf32, #tpu.memory_space<vmem>>, %arg4: memref<256x64xf32, #tpu.memory_space<vmem>>, %arg5: memref<1x64xf32, #tpu.memory_space<vmem>>, %arg6: memref<1x64xf32, #tpu.memory_space<vmem>>, %arg7: memref<1x1xf32, #tpu.memory_space<vmem>>, %arg8: memref<384x64xf32, #tpu.memory_space<vmem>>, %arg9: memref<1x64xf32, #tpu.memory_space<vmem>>, %arg10: memref<1x64xf32, #tpu.memory_space<vmem>>, %arg11: memref<1x1xf32, #tpu.memory_space<vmem>>, %arg12: memref<1024x1xf32, #tpu.memory_space<vmem>>) attributes {dimension_semantics = [], scalar_prefetch = 0 : i64, scratch_operands = 0 : i64, tpu.core_type = #tpu.core_type<tc>} {
    %get3A = arith.constant 0 : index
    %get3A_0 = arith.constant 0 : index
    %get3A_1 = arith.constant 0 : index
    %get3A_2 = vector.load %arg0[%get3A, %get3A_0, %get3A_1] : memref<1024x16x128xf32, #tpu.memory_space<vmem>>, vector<1024x16x128xf32>
    %get3A_3 = arith.constant 0 : index
    %get3A_4 = arith.constant 0 : index
    %get3A_5 = vector.load %arg4[%get3A_3, %get3A_4] : memref<256x64xf32, #tpu.memory_space<vmem>>, vector<256x64xf32>
    %get3A_6 = arith.constant 0 : index
    %get3A_7 = arith.constant 0 : index
    %get3A_8 = vector.load %arg2[%get3A_6, %get3A_7] : memref<1x128xf32, #tpu.memory_space<vmem>>, vector<1x128xf32>
    %slice3A = vector.extract_strided_slice %get3A_5 {offsets = [128, 0], sizes = [128, 64], strides = [1, 1]} : vector<256x64xf32> to vector<128x64xf32>
    %dot_general3A = arith.constant dense<0.000000e+00> : vector<1x64xf32>
    %dot_general3A_9 = tpu.matmul %get3A_8, %slice3A, %dot_general3A {dimension_numbers = #tpu.dot_dimension_numbers<[1], [0], [0], [1], [0, 0, 1, 1], [], []>, transpose_lhs_hint = false} : vector<1x128xf32>, vector<128x64xf32>, vector<1x64xf32> -> vector<1x64xf32>
    %get3A_10 = arith.constant 0 : index
    %get3A_11 = arith.constant 0 : index
    %get3A_12 = vector.load %arg5[%get3A_10, %get3A_11] : memref<1x64xf32, #tpu.memory_space<vmem>>, vector<1x64xf32>
    %add3A = arith.addf %dot_general3A_9, %get3A_12 : vector<1x64xf32>
    %reshape3A = vector.shape_cast %get3A_2 : vector<1024x16x128xf32> to vector<16384x128xf32>
    %slice3A_13 = vector.extract_strided_slice %get3A_5 {offsets = [0, 0], sizes = [128, 64], strides = [1, 1]} : vector<256x64xf32> to vector<128x64xf32>
    %dot_general3A_14 = arith.constant dense<0.000000e+00> : vector<16384x64xf32>
    %dot_general3A_15 = tpu.matmul %reshape3A, %slice3A_13, %dot_general3A_14 {dimension_numbers = #tpu.dot_dimension_numbers<[1], [0], [0], [1], [0, 0, 1, 1], [], []>, transpose_lhs_hint = false} : vector<16384x128xf32>, vector<128x64xf32>, vector<16384x64xf32> -> vector<16384x64xf32>
    %reshape3A_16 = vector.shape_cast %dot_general3A_15 : vector<16384x64xf32> to vector<1024x16x64xf32>
    %reshape3A_17 = vector.shape_cast %add3A : vector<1x64xf32> to vector<1x1x64xf32>
    %add3A_18 = vector.broadcast %reshape3A_17 : vector<1x1x64xf32> to vector<1024x16x64xf32>
    %add3A_19 = arith.addf %reshape3A_16, %add3A_18 : vector<1024x16x64xf32>
    %max3A = arith.constant 0.000000e+00 : f32
    %max3A_20 = vector.broadcast %max3A : f32 to vector<1024x16x64xf32>
    %max3A_21 = arith.maximumf %add3A_19, %max3A_20 : vector<1024x16x64xf32>
    %get3A_22 = arith.constant 0 : index
    %get3A_23 = arith.constant 0 : index
    %get3A_24 = vector.load %arg6[%get3A_22, %get3A_23] : memref<1x64xf32, #tpu.memory_space<vmem>>, vector<1x64xf32>
    %reshape3A_25 = vector.shape_cast %get3A_24 : vector<1x64xf32> to vector<1x1x64xf32>
    %mul3A = vector.broadcast %reshape3A_25 : vector<1x1x64xf32> to vector<1024x16x64xf32>
    %mul3A_26 = arith.mulf %max3A_21, %mul3A : vector<1024x16x64xf32>
    %reduce_sum3A = arith.constant dense<0.000000e+00> : vector<1024x16xf32>
    %reduce_sum3A_27 = vector.multi_reduction <add>, %mul3A_26, %reduce_sum3A [2] : vector<1024x16x64xf32> to vector<1024x16xf32>
    %get3A_28 = arith.constant 0 : index
    %get3A_29 = arith.constant 0 : index
    %get3A_30 = vector.load %arg7[%get3A_28, %get3A_29] : memref<1x1xf32, #tpu.memory_space<vmem>>, vector<1x1xf32>
    %add3A_31 = vector.broadcast %get3A_30 : vector<1x1xf32> to vector<1024x16xf32>
    %add3A_32 = arith.addf %reduce_sum3A_27, %add3A_31 : vector<1024x16xf32>
    %reduce_max3A = arith.constant dense<0xFF800000> : vector<1024xf32>
    %reduce_max3A_33 = vector.multi_reduction <maximumf>, %add3A_32, %reduce_max3A [1] : vector<1024x16xf32> to vector<1024xf32>
    %max3A_34 = arith.constant 0xFF800000 : f32
    %max3A_35 = vector.broadcast %max3A_34 : f32 to vector<1024xf32>
    %max3A_36 = arith.maximumf %max3A_35, %reduce_max3A_33 : vector<1024xf32>
    %broadcast_in_dim3A = vector.shape_cast %max3A_36 : vector<1024xf32> to vector<1024x1xf32>
    %sub3A = vector.broadcast %broadcast_in_dim3A : vector<1024x1xf32> to vector<1024x16xf32>
    %sub3A_37 = arith.subf %add3A_32, %sub3A : vector<1024x16xf32>
    %exp3A = math.exp %sub3A_37 : vector<1024x16xf32>
    %reduce_sum3A_38 = arith.constant dense<0.000000e+00> : vector<1024xf32>
    %reduce_sum3A_39 = vector.multi_reduction <add>, %exp3A, %reduce_sum3A_38 [1] : vector<1024x16xf32> to vector<1024xf32>
    %broadcast_in_dim3A_40 = vector.shape_cast %reduce_sum3A_39 : vector<1024xf32> to vector<1024x1xf32>
    %div3A = vector.broadcast %broadcast_in_dim3A_40 : vector<1024x1xf32> to vector<1024x16xf32>
    %div3A_41 = arith.divf %exp3A, %div3A : vector<1024x16xf32>
    %broadcast_in_dim3A_42 = vector.shape_cast %div3A_41 : vector<1024x16xf32> to vector<1024x16x1xf32>
    %mul3A_43 = vector.broadcast %broadcast_in_dim3A_42 : vector<1024x16x1xf32> to vector<1024x16x128xf32>
    %mul3A_44 = arith.mulf %mul3A_43, %get3A_2 : vector<1024x16x128xf32>
    %reduce_sum3A_45 = arith.constant dense<0.000000e+00> : vector<1024x128xf32>
    %reduce_sum3A_46 = vector.multi_reduction <add>, %mul3A_44, %reduce_sum3A_45 [1] : vector<1024x16x128xf32> to vector<1024x128xf32>
    %get3A_47 = arith.constant 0 : index
    %get3A_48 = arith.constant 0 : index
    %get3A_49 = vector.load %arg1[%get3A_47, %get3A_48] : memref<1024x128xf32, #tpu.memory_space<vmem>>, vector<1024x128xf32>
    %add3A_50 = arith.addf %reduce_sum3A_46, %get3A_49 : vector<1024x128xf32>
    %get3A_51 = arith.constant 0 : index
    %get3A_52 = arith.constant 0 : index
    %get3A_53 = vector.load %arg8[%get3A_51, %get3A_52] : memref<384x64xf32, #tpu.memory_space<vmem>>, vector<384x64xf32>
    %slice3A_54 = vector.extract_strided_slice %get3A_53 {offsets = [0, 0], sizes = [128, 64], strides = [1, 1]} : vector<384x64xf32> to vector<128x64xf32>
    %get3A_55 = arith.constant 0 : index
    %get3A_56 = arith.constant 0 : index
    %get3A_57 = vector.load %arg3[%get3A_55, %get3A_56] : memref<128x1xf32, #tpu.memory_space<vmem>>, vector<128x1xf32>
    %mul3A_58 = vector.broadcast %get3A_57 : vector<128x1xf32> to vector<128x64xf32>
    %mul3A_59 = arith.mulf %slice3A_54, %mul3A_58 : vector<128x64xf32>
    %slice3A_60 = vector.extract_strided_slice %get3A_53 {offsets = [128, 0], sizes = [128, 64], strides = [1, 1]} : vector<384x64xf32> to vector<128x64xf32>
    %add3A_61 = arith.addf %mul3A_59, %slice3A_60 : vector<128x64xf32>
    %get3A_62 = arith.constant 0 : index
    %get3A_63 = arith.constant 0 : index
    %get3A_64 = vector.load %arg9[%get3A_62, %get3A_63] : memref<1x64xf32, #tpu.memory_space<vmem>>, vector<1x64xf32>
    %slice3A_65 = vector.extract_strided_slice %get3A_53 {offsets = [256, 0], sizes = [128, 64], strides = [1, 1]} : vector<384x64xf32> to vector<128x64xf32>
    %dot_general3A_66 = arith.constant dense<0.000000e+00> : vector<1x64xf32>
    %dot_general3A_67 = tpu.matmul %get3A_8, %slice3A_65, %dot_general3A_66 {dimension_numbers = #tpu.dot_dimension_numbers<[1], [0], [0], [1], [0, 0, 1, 1], [], []>, transpose_lhs_hint = false} : vector<1x128xf32>, vector<128x64xf32>, vector<1x64xf32> -> vector<1x64xf32>
    %add3A_68 = arith.addf %get3A_64, %dot_general3A_67 : vector<1x64xf32>
    %dot_general3A_69 = arith.constant dense<0.000000e+00> : vector<1024x64xf32>
    %dot_general3A_70 = tpu.matmul %add3A_50, %add3A_61, %dot_general3A_69 {dimension_numbers = #tpu.dot_dimension_numbers<[1], [0], [0], [1], [0, 0, 1, 1], [], []>, transpose_lhs_hint = false} : vector<1024x128xf32>, vector<128x64xf32>, vector<1024x64xf32> -> vector<1024x64xf32>
    %add3A_71 = vector.broadcast %add3A_68 : vector<1x64xf32> to vector<1024x64xf32>
    %add3A_72 = arith.addf %dot_general3A_70, %add3A_71 : vector<1024x64xf32>
    %max3A_73 = arith.constant 0.000000e+00 : f32
    %max3A_74 = vector.broadcast %max3A_73 : f32 to vector<1024x64xf32>
    %max3A_75 = arith.maximumf %add3A_72, %max3A_74 : vector<1024x64xf32>
    %get3A_76 = arith.constant 0 : index
    %get3A_77 = arith.constant 0 : index
    %get3A_78 = vector.load %arg10[%get3A_76, %get3A_77] : memref<1x64xf32, #tpu.memory_space<vmem>>, vector<1x64xf32>
    %mul3A_79 = vector.broadcast %get3A_78 : vector<1x64xf32> to vector<1024x64xf32>
    %mul3A_80 = arith.mulf %max3A_75, %mul3A_79 : vector<1024x64xf32>
    %reduce_sum3A_81 = arith.constant dense<0.000000e+00> : vector<1024xf32>
    %reduce_sum3A_82 = vector.multi_reduction <add>, %mul3A_80, %reduce_sum3A_81 [1] : vector<1024x64xf32> to vector<1024xf32>
    %broadcast_in_dim3A_83 = vector.shape_cast %reduce_sum3A_82 : vector<1024xf32> to vector<1024x1xf32>
    %get3A_84 = arith.constant 0 : index
    %get3A_85 = arith.constant 0 : index
    %get3A_86 = vector.load %arg11[%get3A_84, %get3A_85] : memref<1x1xf32, #tpu.memory_space<vmem>>, vector<1x1xf32>
    %add3A_87 = vector.broadcast %get3A_86 : vector<1x1xf32> to vector<1024x1xf32>
    %add3A_88 = arith.addf %broadcast_in_dim3A_83, %add3A_87 : vector<1024x1xf32>
    %logistic3A = arith.negf %add3A_88 : vector<1024x1xf32>
    %logistic3A_89 = math.exp %logistic3A : vector<1024x1xf32>
    %logistic3A_90 = arith.constant 1.000000e+00 : f32
    %logistic3A_91 = vector.broadcast %logistic3A_90 : f32 to vector<1024x1xf32>
    %logistic3A_92 = arith.addf %logistic3A_91, %logistic3A_89 : vector<1024x1xf32>
    %logistic3A_93 = arith.divf %logistic3A_91, %logistic3A_92 : vector<1024x1xf32>
    %swap3A = arith.constant 0 : index
    %swap3A_94 = arith.constant 0 : index
    %swap3A_95 = vector.load %arg12[%swap3A, %swap3A_94] : memref<1024x1xf32, #tpu.memory_space<vmem>>, vector<1024x1xf32>
    tpu.vector_store %arg12[%swap3A, %swap3A_94], %logistic3A_93 {strides = array<i32>} : memref<1024x1xf32, #tpu.memory_space<vmem>>, vector<1024x1xf32>,
    return
  }
}

</mosaic_0001>

<sc_bundles>
// kernel: kernel.6.cloned.1.call-start
scs
__scs_entry_jumppad:
0x0: {  	(pc) =	sbr.rel $0x88, $3  }
0x1: {  	(tag) =	ssettag $0x0;
	lr =	simm.s32 $0x1  }
0x2: {  	[smem:$0x3F90] =	sst lr;
	_ =	strace $0xD0000000  }
0x3: {  	_ = 	snop  }
0x4: {  	_ = 	snop  }
0x5: {  	_ = 	snop  }
0x6: {  	_ = 	snop  }
0x7: {  	_ = 	snop  }
__scs_overlays_trampoline_lowered:
0x8: {  	[smem:$0x3F9F] =	sst s0  }
0x9: {  	[smem:$0x3FA0] =	sst s1  }
0xa: {  	[smem:$0x3FA1] =	sst s2  }
0xb: {  	[smem:$0x3FA2] =	sst s3  }
0xc: {  	[smem:$0x3FA3] =	sst s4  }
0xd: {  	[smem:$0x3FA4] =	sst s5  }
0xe: {  	[smem:$0x3FA5] =	sst s6  }
0xf: {  	[smem:$0x3FA6] =	sst s7  }
0x10: {  	[smem:$0x3FA7] =	sst s8  }
0x11: {  	[smem:$0x3FA8] =	sst s9;
	s0 =	simm.s32 @!p0 $0x0  }
0x12: {  	s1 =	sld [smem:$0x3F8E];
	s0 =	simm.s32 @p0 $0x1  }
0x13: {  	[smem:$0x3FA9] =	sst s0;
	s0 =	simm.s32 @!p1 $0x0  }
0x14: {  	s2 =	sld [smem:$0x3F8D];
	s0 =	simm.s32 @p1 $0x1  }
0x15: {  	[smem:$0x3FAA] =	sst s0;
	s0 =	simm.s32 @!p2 $0x0  }
0x16: {  	s3 =	sld [smem:$0x3FDB];
	s0 =	simm.s32 @p2 $0x1  }
0x17: {  	s4 =	simm.s32 $0x1BF5;
	[smem:$0x3FAC] =	sst s0  }
0x18: {  	s0 =	sld [smem:$0x3F8F];
	_ =	swait.ge [sflag:s4], $0x0  }
0x19: {  	s7 =	sld [smem:$0x3F90]  }
0x1a: {  	s8 =	sadd.s32 $0xFFFFE003, lr  }
0x1b: {  	s9 =	sadd.s32 $0xFFFFFEF7, lr;
	s5 =	simm.s32 $0xFFFFFFFF;
	p2 =	slt.u32 s8, $0xFFFFF086  }
0x1c: {  	p1 =	slt.u32 s9, $0xF7A;
	s5 =	simm.s32 @!p2 $0x0  }
0x1d: {  	s5 =	simm.s32 @p1 $0x1;
	p0 =	seq.s32 s7, s2  }
0x1e: {  	s7 =	smul.u32 @!p0 $0xF7A, s2;
	p2 =	seq.s32 @!p0 s5, $0x0  }
0x1f: {  	s9 =	smul.u32 $0xF7A, s1;
	s8 =	simm.s32 @!p0 $0x1BF5;
	p2 =	por !p2, p0  }
0x20: {  	[sflag:s8] =	ssyncset.s32 @!p0 $0xFFFFF086;
	s6 =	sadd.s32 @!p0 s3, s7;
	s7 =	simm.s32 @!p0 $0x108  }
0x21: {  	s3 =	sadd.s32 s3, s9;
	s6 =	sadd.s32 @!p0 $0x88, s6;
	s7 =	simm.s32 @p2 $0x1082  }
0x22: {  	[simem:s7], [sflag:s8] =	dma.local @!p0 [hbm:s6], $0xF7A  }
0x23: {  	s9 =	sor.u32 $0xD0000000, s2;
	s6 =	simm.s32 $0x108;
	_ =	swait.ge @!p0 [sflag:s8], $0x0  }
0x24: {  	s3 =	sadd.s32 $0x88, s3;
	s6 =	simm.s32 @!p1 $0x1082;
	[sflag:s4] =	ssyncset.s32 $0xFFFFF086  }
0x25: {  	[simem:s6], [sflag:s4] =	dma.local [hbm:s3], $0xF7A  }
0x26: {  	[smem:$0x3F90] =	sst s1;
	(tag) =	ssettag s2;
	_ =	strace s9  }
0x27: {  	s1 =	sld [smem:$0x3FA0]  }
0x28: {  	s2 =	sld [smem:$0x3FA1]  }
0x29: {  	s4 =	sld [smem:$0x3FA3]  }
0x2a: {  	p0 =	seq.s32 s5, $0x0;
	s5 =	sld [smem:$0x3FA4]  }
0x2b: {  	s6 =	sld [smem:$0x3FA5]  }
0x2c: {  	s7 =	sld [smem:$0x3FA6]  }
0x2d: {  	s3 =	simm.s32 $0x108;
	s8 =	sld [smem:$0x3FA7]  }
0x2e: {  	s3 =	simm.s32 @!p0 $0x1082;
	s9 =	sld [smem:$0x3FA8]  }
0x2f: {  	lr =	sadd.s32 s0, s3;
	s0 =	sld [smem:$0x3F9F]  }
0x30: {  	s3 =	sld [smem:$0x3FA2]  }
0x31: {  	[smem:$0x3FAB] =	sst s10  }
0x32: {  	s10 =	sld [smem:$0x3FA9];
	_ =	sdelay $0x3  }
0x33: {  	p0 =	seq.s32 s10, $0x1;
	s10 =	sld [smem:$0x3FAB];
	_ =	sdelay $0x3  }
0x34: {  	[smem:$0x3FAB] =	sst s10  }
0x35: {  	s10 =	sld [smem:$0x3FAA];
	_ =	sdelay $0x3  }
0x36: {  	p1 =	seq.s32 s10, $0x1;
	s10 =	sld [smem:$0x3FAB];
	_ =	sdelay $0x3  }
0x37: {  	[smem:$0x3FAB] =	sst s10  }
0x38: {  	s10 =	sld [smem:$0x3FAC]  }
0x39: {  	_ = 	snop;
	(pc) =	sbr.ind lr, $3  }
0x3a: {  	_ = 	snop  }
0x3b: {  	_ = 	snop  }
0x3c: {  	p2 =	seq.s32 s10, $0x1;
	s10 =	sld [smem:$0x3FAB]  }
0x3d: {  	_ =	shalt  }
0x3e: {  	_ =	shalt  }
0x3f: {  	_ =	shalt  }
0x40: {  	_ =	shalt  }
0x41: {  	_ =	shalt  }
0x42: {  	_ =	shalt  }
0x43: {  	_ =	shalt  }
0x44: {  	_ =	shalt  }
0x45: {  	_ =	shalt  }
0x46: {  	_ =	shalt  }
0x47: {  	_ =	shalt  }
0x48: {  	_ =	shalt  }
0x49: {  	_ =	shalt  }
0x4a: {  	_ =	shalt  }
0x4b: {  	_ =	shalt  }
0x4c: {  	_ =	shalt  }
0x4d: {  	_ =	shalt  }
0x4e: {  	_ =	shalt  }
0x4f: {  	_ =	shalt  }
0x50: {  	_ =	shalt  }
0x51: {  	_ =	shalt  }
0x52: {  	_ =	shalt  }
0x53: {  	_ =	shalt  }
0x54: {  	_ =	shalt  }
0x55: {  	_ =	shalt  }
0x56: {  	_ =	shalt  }
0x57: {  	_ =	shalt  }
0x58: {  	_ =	shalt  }
0x59: {  	_ =	shalt  }
0x5a: {  	_ =	shalt  }
0x5b: {  	_ =	shalt  }
0x5c: {  	_ =	shalt  }
0x5d: {  	_ =	shalt  }
0x5e: {  	_ =	shalt  }
0x5f: {  	_ =	shalt  }
0x60: {  	_ =	shalt  }
0x61: {  	_ =	shalt  }
0x62: {  	_ =	shalt  }
0x63: {  	_ =	shalt  }
0x64: {  	_ =	shalt  }
0x65: {  	_ =	shalt  }
0x66: {  	_ =	shalt  }
0x67: {  	_ =	shalt  }
0x68: {  	_ =	shalt  }
0x69: {  	_ =	shalt  }
0x6a: {  	_ =	shalt  }
0x6b: {  	_ =	shalt  }
0x6c: {  	_ =	shalt  }
0x6d: {  	_ =	shalt  }
0x6e: {  	_ =	shalt  }
0x6f: {  	_ =	shalt  }
0x70: {  	_ =	shalt  }
0x71: {  	_ =	shalt  }
0x72: {  	_ =	shalt  }
0x73: {  	_ =	shalt  }
0x74: {  	_ =	shalt  }
0x75: {  	_ =	shalt  }
0x76: {  	_ =	shalt  }
0x77: {  	_ =	shalt  }
0x78: {  	_ =	shalt  }
0x79: {  	_ =	shalt  }
0x7a: {  	_ =	shalt  }
0x7b: {  	_ =	shalt  }
0x7c: {  	_ =	shalt  }
0x7d: {  	_ =	shalt  }
0x7e: {  	_ =	shalt  }
0x7f: {  	_ =	shalt  }
0x80: {  	_ =	shalt  }
0x81: {  	_ =	shalt  }
0x82: {  	_ =	shalt  }
0x83: {  	_ =	shalt  }
0x84: {  	_ =	shalt  }
0x85: {  	_ =	shalt  }
0x86: {  	_ =	shalt  }
0x87: {  	_ =	shalt  }
.Lfunc_end0:
.L_simem_size_0:
called_computation_lowered:
.L_overlay_start_0:
0x88: {  	s2 =	sld [smem:$0x3FD9]  }
0x89: {  	s3 =	sld [smem:$0x3FFE];
	_ =	sdelay $0x1  }
0x8a: {  	s1 =	srdreg.scid  }
0x8b: {  	s0 =	sand.u32 $0x1, s1  }
0x8c: {  	s16 =	sshll.u32 s0, $0xA;
	s2 =	sadd.s32 s3, s2  }
0x8d: {  	s2 =	sadd.s32 s2, s16  }
0x8e: {  	[smem:$0x3FB7] =	sst s2  }
0x8f: {  	_ = 	snop  }
0x90: {  	(tm) =	ssettm $0x1  }
0x91: {  	s17 =	sld [smem:$0x3FFB];
	_ =	sdelay $0x3  }
0x92: {  	_ =	strace s17  }
0x93: {  	s2 =	sld [smem:$0x3FFC];
	_ =	sdelay $0x3  }
0x94: {  	_ =	strace s2  }
0x95: {  	s2 =	sld [smem:$0x3FFD];
	_ =	sdelay $0x3  }
0x96: {  	_ =	strace s2  }
0x97: {  	_ =	strace $0x8FFFFFFF  }
0x98: {  	s18 =	sld [smem:$0x3FDB];
	_ =	sdelay $0x1  }
0x99: {  	s19 =	simm.s32 $_scs_section_size  }
0x9a: {  	s4 =	simm.s32 $_size__tile_overlayer_lowered;
	s5 =	simm.s32 $_tile_overlayer_lowered  }
0x9b: {  	s22 =	simm.s32 $0x1BFF;
	s21 =	sshll.u32 s5, $0x1;
	s2 =	sadd.s32 s19, s18  }
0x9c: {  	s6 =	simm.s32 $0x0;
	s20 =	sshll.u32 s4, $0x1;
	s4 =	sadd.s32 s21, s2  }
0x9d: {  	[timem:s6], [sflag:s22] =	dma.local [hbm:s4], s20  }
0x9e: {  	_ =	swait.ge [sflag:s22], s20  }
0x9f: {  	s3 =	ssub.s32 $0x0, s20;
	[sflag:s22] =	ssyncset.done $0x0  }
0xa0: {  	[sflag:s22] =	ssyncadd.s32 s3;
	_ =	sdelay $0x1  }
0xa1: {  	s23 =	simm.s32 $0x1B8B  }
0xa2: {  	_ =	swait.ge [sflag:s23], $0x1  }
0xa3: {  	[sflag:s23] =	ssyncset.done $0x0  }
0xa4: {  	s25 =	simm.s32 $0x1B8E;
	s24 =	sld [smem:$0x3FFE];
	[sflag:s23] =	ssyncadd.s32 $0xFFFFFFFF  }
0xa5: {  	s26 =	simm.s32 $execute0_lowered;
	[smem:$0x3FD2] =	sst s25  }
0xa6: {  	s4 =	sshll.u32 s26, $0x1;
	_ =	strace $0x80000046;
	[dreg:$0x1] =	wrdreg $0xFFFFFFFF  }
0xa7: {  	s28 =	simm.s32 $_size_execute0_lowered;
	s2 =	sadd.s32 s2, s4;
	[dreg:$0x0] =	wrdreg $0x0  }
0xa8: {  	s4 =	sshll.u32 s28, $0x1;
	[dreg:$0x2] =	wrdreg s2  }
0xa9: {  	[dreg:$0x3] =	wrdreg s4  }
0xaa: {  	[dreg:$0x4] =	wrdreg $0xC0  }
0xab: {  	_ =	task [dreg:s6], $0x5FFFF  }
0xac: {  	[dreg:$0x1] =	wrdreg $0xFFFFFFFF  }
0xad: {  	[dreg:$0x0] =	wrdreg $0x60  }
0xae: {  	[dreg:$0x2] =	wrdreg s24  }
0xaf: {  	[dreg:$0x3] =	wrdreg $0x9  }
0xb0: {  	_ =	task.clear_ibuf [dreg:s6], $0x4FFFF;
	_ =	strace $0x90000046  }
0xb1: {  	s29 =	simm.s32 $0x9;
	_ =	strace $0x80000048  }
0xb2: {  	_ =	swait.ge [sflag:s29], $0x1  }
0xb3: {  	[sflag:s29] =	ssyncadd.s32 $0xFFFFFFFF  }
0xb4: {  	_ =	strace $0x90000048  }
0xb5: {  	_ =	sfence  }
0xb6: {  	s30 =	sld [smem:$0x0];
	_ =	sdelay $0x2  }
0xb7: {  	s31 =	sshll.u32 s1, $0xD;
	s1 =	sshrl.u32 s1, $0x2  }
0xb8: {  	s3 =	sand.u32 $0x4000, s31;
	s1 =	sadd.s32 s1, s30  }
0xb9: {  	s0 =	sor.u32 s3, s0;
	s1 =	sshll.u32 s1, $0x11  }
0xba: {  	s0 =	sor.u32 s1, s0  }
0xbb: {  	s0 =	sadd.s32 $0x8F2B, s0  }
0xbc: {  	[sflag:s0] =	ssyncadd.remote.s32 $0x1  }
0xbd: {  	_ =	sfence.sel $0xFFFF  }
0xbe: {  	[dreg:$0x0] =	wrdreg $0xFFFFFFFF;
	(pc) =	sbr.abs _section_cstart, $3  }
0xbf: {  	[dreg:$0x1] =	wrdreg $0xFFFFFFFF  }
0xc0: {  	_ =	task.clear_ibuf [dreg:s6], $0x2FFFF;
	_ =	strace $0x9FFFFFFF  }
0xc1: {  	(tm) =	ssettm $0x7FFFFFFF  }
tec
execute0_lowered:
.L_overlay_start_1:
0x0: {  	(tag) =	ssettag $0x1  }
0x1: {  	s1 =	srdreg.scid  }
0x2: {  	s0 =	stileid.u32;
	s4 =	rddreg [dreg:$0x0];
	s2 =	simm.s32 $0x0  }
0x3: {  	s10 =	simm.s32 $0x5400;
	s12 =	simm.s32 $0x9400;
	s13 =	simm.s32 $0x180  }
0x4: {  	s14 =	simm.s32 $0xD400;
	s15 =	simm.s32 $0x200;
	s16 =	simm.s32 $0x11400  }
0x5: {  	s17 =	simm.s32 $0x1;
	s18 =	simm.s32 $0x2;
	s19 =	simm.s32 $0x3  }
0x6: {  	s20 =	simm.s32 $0x4;
	s21 =	simm.s32 $0x5;
	s22 =	simm.s32 $0x6  }
0x7: {  	s23 =	simm.s32 $0x7;
	s24 =	simm.s32 $0x8;
	s25 =	simm.s32 $0x9  }
0x8: {  	s26 =	simm.s32 $0xA;
	s28 =	simm.s32 $0x0;
	s5 =	sand.u32 $0x1, s1  }
0x9: {  	s3 =	sshll.u32 s0, $0x1;
	[smem:$0x7FF] =	sst s2;
	s7 =	smul.u32 $0x28000, s0  }
0xa: {  	s3 =	sor.u32 s5, s3;
	s8 =	ssub.s32 $0x2, s5;
	s5 =	smul.u32 $0x14000, s5  }
0xb: {  	_ =	strace $0x80000047;
	s6 =	smul.u32 $0x1400, s3;
	s9 =	sshrl.u32 s8, $0x1  }
0xc: {  	s3 =	sadd.s32 $0x8400, s4;
	s7 =	sadd.s32 s7, s4;
	s31 =	ssub.s32 s8, s9  }
0xd: {  	s7 =	sadd.s32 s5, s7;
	s8 =	simm.s32 $0x80;
	s6 =	sshrl.u32 s6, $0x3  }
0xe: {  	s9 =	simm.s32 $0x1400;
	s5 =	smax.u32 s31, $0x1;
	s4 =	sadd.s32 s6, s4  }
0xf: {  	s6 =	sadd.s32 $0x32400, s7;
	s7 =	simm.s32 $0xB;
	s4 =	sadd.s32 $0x3400, s4  }
.LBB2_1:
0x10: {  	[tilespmem:s2], [sflag:$0xB] =	stream.linear.gather [hbm4b:s4+s2], $0x1400, $0x38;
	[tilespmem:$0x15400] =	vst v63  }
0x11: {  	_ =	swait.ge [sflag:s7], $0x1400  }
0x12: {  	[sflag:s7] =	ssyncset.done $0x0  }
0x13: {  	[sflag:s7] =	ssyncadd.s32 $0xFFFFEC00  }
0x14: {  	[tilespmem:s9], [sflag:$0x1] =	stream.indirect.gather [hbm4b:s3+s8], $0x80, s2, s8, $0xb8;
	[tilespmem:$0x15400] =	vst v63  }
0x15: {  	_ = 	snop  }
0x16: {  	[tilespmem:s10], [sflag:$0x2] =	stream.indirect.gather [hbm4b:s3+s8], $0x80, s8, s8, $0xb8;
	[tilespmem:$0x15400] =	vst v63  }
0x17: {  	s0 =	simm.s32 $0x100  }
0x18: {  	[tilespmem:s12], [sflag:$0x3] =	stream.indirect.gather [hbm4b:s3+s8], $0x80, s0, s8, $0xb8;
	[tilespmem:$0x15400] =	vst v63  }
0x19: {  	_ = 	snop  }
0x1a: {  	[tilespmem:s14], [sflag:$0x4] =	stream.indirect.gather [hbm4b:s3+s8], $0x80, s13, s8, $0xb8;
	[tilespmem:$0x15400] =	vst v63  }
0x1b: {  	s29 =	smov.u32 s6;
	s30 =	simm.s32 $0x0  }
0x1c: {  	[tilespmem:s16], [sflag:$0x5] =	stream.indirect.gather [hbm4b:s3+s8], $0x80, s15, s8, $0xb8;
	[tilespmem:$0x15400] =	vst v63  }
.LBB2_2:
0x1d: {  	_ =	swait.ge [sflag:s17], $0x4000  }
0x1e: {  	[sflag:s17] =	ssyncset.done $0x0  }
0x1f: {  	s31 =	sadd.s32 $0xFFFFE000, s29;
	[sflag:s17] =	ssyncadd.s32 $0xFFFFC000  }
0x20: {  	[hbm4b:s31+s2] =	stream.linear.scatter [tilespmem:s9], [sflag:$0x6], $0x4000, $0x38;
	[tilespmem:$0x15400] =	vst v63  }
0x21: {  	_ =	swait.ge [sflag:s18], $0x4000  }
0x22: {  	[sflag:s18] =	ssyncset.done $0x0  }
0x23: {  	s0 =	sadd.s32 $0xFFFFE800, s29;
	[sflag:s18] =	ssyncadd.s32 $0xFFFFC000  }
0x24: {  	[hbm4b:s0+s2] =	stream.linear.scatter [tilespmem:s10], [sflag:$0x7], $0x4000, $0x38;
	[tilespmem:$0x15400] =	vst v63  }
0x25: {  	_ =	swait.ge [sflag:s19], $0x4000  }
0x26: {  	[sflag:s19] =	ssyncset.done $0x0  }
0x27: {  	s1 =	sadd.s32 $0xFFFFF000, s29;
	[sflag:s19] =	ssyncadd.s32 $0xFFFFC000  }
0x28: {  	[hbm4b:s1+s2] =	stream.linear.scatter [tilespmem:s12], [sflag:$0x8], $0x4000, $0x38;
	[tilespmem:$0x15400] =	vst v63  }
0x29: {  	_ =	swait.ge [sflag:s20], $0x4000  }
0x2a: {  	[sflag:s20] =	ssyncset.done $0x0  }
0x2b: {  	s11 =	sadd.s32 $0xFFFFF800, s29;
	[sflag:s20] =	ssyncadd.s32 $0xFFFFC000  }
0x2c: {  	[hbm4b:s11+s2] =	stream.linear.scatter [tilespmem:s14], [sflag:$0x9], $0x4000, $0x38;
	[tilespmem:$0x15400] =	vst v63  }
0x2d: {  	_ =	swait.ge [sflag:s21], $0x4000  }
0x2e: {  	p0 =	seq.s32 s30, $0x4600;
	[sflag:s21] =	ssyncset.done $0x0  }
0x2f: {  	s31 =	simm.s32 @!p0 $0x6;
	[sflag:s21] =	ssyncadd.s32 $0xFFFFC000  }
0x30: {  	[hbm4b:s29+s2] =	stream.linear.scatter [tilespmem:s16], [sflag:$0xA], $0x4000, $0x38;
	[tilespmem:$0x15400] =	vst v63  }
0x31: {  	_ =	swait.ge @!p0 [sflag:s31], $0x4000  }
0x32: {  	[sflag:s31] =	ssyncset.done @!p0 $0x0  }
0x33: {  	[sflag:s31] =	ssyncadd.s32 @!p0 $0xFFFFC000;
	s31 =	sshra.s32 @!p0 s30, $0x2  }
0x34: {  	s0 =	simm.s32 @!p0 $0x80;
	s11 =	simm.s32 @!p0 $0x1400;
	s1 =	sadd.s32 @!p0 $0x280, s31  }
0x35: {  	[tilespmem:s11], [sflag:$0x1] =	stream.indirect.gather @!p0 [hbm4b:s3+s0], $0x80, s1, s0, $0xb8;
	[tilespmem:$0x15400] =	vst v63  }
0x36: {  	s1 =	simm.s32 @!p0 $0x7  }
0x37: {  	_ =	swait.ge @!p0 [sflag:s1], $0x4000  }
0x38: {  	[sflag:s1] =	ssyncset.done @!p0 $0x0  }
0x39: {  	s11 =	simm.s32 @!p0 $0x5400;
	[sflag:s1] =	ssyncadd.s32 @!p0 $0xFFFFC000;
	s1 =	sadd.s32 @!p0 $0x300, s31  }
0x3a: {  	[tilespmem:s11], [sflag:$0x2] =	stream.indirect.gather @!p0 [hbm4b:s3+s0], $0x80, s1, s0, $0xb8;
	[tilespmem:$0x15400] =	vst v63  }
0x3b: {  	s1 =	simm.s32 @!p0 $0x8  }
0x3c: {  	_ =	swait.ge @!p0 [sflag:s1], $0x4000  }
0x3d: {  	[sflag:s1] =	ssyncset.done @!p0 $0x0  }
0x3e: {  	s11 =	simm.s32 @!p0 $0x9400;
	[sflag:s1] =	ssyncadd.s32 @!p0 $0xFFFFC000;
	s1 =	sadd.s32 @!p0 $0x380, s31  }
0x3f: {  	[tilespmem:s11], [sflag:$0x3] =	stream.indirect.gather @!p0 [hbm4b:s3+s0], $0x80, s1, s0, $0xb8;
	[tilespmem:$0x15400] =	vst v63  }
0x40: {  	s30 =	sadd.s32 @!p0 $0xA00, s30;
	s1 =	simm.s32 @!p0 $0x9  }
0x41: {  	p1 =	sne.s32 @!p0 s30, $0x5000;
	_ =	swait.ge @!p0 [sflag:s1], $0x4000  }
0x42: {  	p1 =	por p0, !p1;
	[sflag:s1] =	ssyncset.done @!p0 $0x0  }
0x43: {  	s11 =	simm.s32 @!p0 $0xD400;
	[sflag:s1] =	ssyncadd.s32 @!p0 $0xFFFFC000;
	s1 =	sadd.s32 @!p0 $0x400, s31  }
0x44: {  	[tilespmem:s11], [sflag:$0x4] =	stream.indirect.gather @!p0 [hbm4b:s3+s0], $0x80, s1, s0, $0xb8;
	[tilespmem:$0x15400] =	vst v63  }
.Ltmp0:
0x45: {  	s1 =	simm.s32 @!p0 $0xA;
	(pc) =	sbr.rel @!p1 .LBB2_2-.Ltmp0, $4  }
0x46: {  	_ =	swait.ge @!p0 [sflag:s1], $0x4000  }
0x47: {  	s29 =	sadd.s32 @!p0 $0x2800, s29;
	[sflag:s1] =	ssyncset.done @!p0 $0x0  }
0x48: {  	s11 =	simm.s32 @!p0 $0x11400;
	[sflag:s1] =	ssyncadd.s32 @!p0 $0xFFFFC000;
	s1 =	sadd.s32 @!p0 $0x480, s31  }
0x49: {  	[tilespmem:s11], [sflag:$0x5] =	stream.indirect.gather @!p0 [hbm4b:s3+s0], $0x80, s1, s0, $0xb8;
	[tilespmem:$0x15400] =	vst v63  }
0x4a: {  	_ =	swait.ge [sflag:s22], $0x4000  }
0x4b: {  	[sflag:s22] =	ssyncset.done $0x0  }
0x4c: {  	[sflag:s22] =	ssyncadd.s32 $0xFFFFC000  }
0x4d: {  	_ =	swait.ge [sflag:s23], $0x4000  }
0x4e: {  	[sflag:s23] =	ssyncset.done $0x0  }
0x4f: {  	[sflag:s23] =	ssyncadd.s32 $0xFFFFC000  }
0x50: {  	_ =	swait.ge [sflag:s24], $0x4000  }
0x51: {  	[sflag:s24] =	ssyncset.done $0x0  }
0x52: {  	s28 =	sadd.s32 $0x1, s28;
	[sflag:s24] =	ssyncadd.s32 $0xFFFFC000  }
0x53: {  	p0 =	sne.s32 s28, s5;
	_ =	swait.ge [sflag:s25], $0x4000  }
.Ltmp1:
0x54: {  	[sflag:s25] =	ssyncset.done $0x0;
	(pc) =	sbr.rel @p0 .LBB2_1-.Ltmp1, $4  }
0x55: {  	[sflag:s25] =	ssyncadd.s32 $0xFFFFC000  }
0x56: {  	_ =	swait.ge [sflag:s26], $0x4000  }
0x57: {  	[sflag:s26] =	ssyncset.done $0x0  }
0x58: {  	[sflag:s26] =	ssyncadd.s32 $0xFFFFC000  }
0x59: {  	_ =	sfence.sel $0x180000  }
0x5a: {  	[bflag:$0x0] =	sbarrier.arrive $0xFFFF  }
0x5b: {  	_ =	strace $0x90000047  }
0x5c: {  	s0 =	stileid.u32;
	[bflag:$0x2] =	sbarrier.arrive $0xFFFF  }
0x5d: {  	p0 =	sne.s32 s0, $0x0;
	s0 =	rddreg [dreg:$0x1]  }
0x5e: {  	s0 =	sadd.s32 @!p0 $0x100000, s0  }
0x5f: {  	[sflag:s0] =	ssyncadd.tile.s32 @!p0 $0x1;
	_ =	shalt  }
.Lfunc_end2:
_tile_overlayer_lowered:
.L_overlay_start_2:
0x60: {  	(tag) =	ssettag $0x2  }
0x61: {  	s0 =	rddreg [dreg:$0x0];
	s2 =	stileid.u32  }
0x62: {  	s1 =	rddreg [dreg:$0x1];
	p0 =	sne.s32 s2, $0x0  }
0x63: {  	s3 =	rddreg [dreg:$0x2];
	[bflag:$0x3] =	sbarrier.arrive $0xFFFF;
	s2 =	simm.s32 @!p0 $0x1C0B  }
0x64: {  	[timem:s3], [sflag:s2] =	dma.local @!p0 [hbm:s0], s1  }
0x65: {  	s0 =	simm.s32 @!p0 $0xB  }
0x66: {  	_ =	swait.ge @!p0 [sflag:s0], s1  }
0x67: {  	s1 =	ssub.s32 @!p0 $0x0, s1;
	[sflag:s0] =	ssyncset.done @!p0 $0x0  }
0x68: {  	[sflag:s0] =	ssyncadd.s32 @!p0 s1  }
0x69: {  	[bflag:$0x3] =	sbarrier.arrive $0xFFFF  }
0x6a: {  	_ =	shalt  }

// kernel: kernel.9.cloned.1.call-start
scs
__scs_entry_jumppad:
0x0: {  	(pc) =	sbr.rel $0x88, $3  }
0x1: {  	(tag) =	ssettag $0x0;
	lr =	simm.s32 $0x1  }
0x2: {  	[smem:$0x3F90] =	sst lr;
	_ =	strace $0xD0000000  }
0x3: {  	_ = 	snop  }
0x4: {  	_ = 	snop  }
0x5: {  	_ = 	snop  }
0x6: {  	_ = 	snop  }
0x7: {  	_ = 	snop  }
__scs_overlays_trampoline_lowered:
0x8: {  	[smem:$0x3F9F] =	sst s0  }
0x9: {  	[smem:$0x3FA0] =	sst s1  }
0xa: {  	[smem:$0x3FA1] =	sst s2  }
0xb: {  	[smem:$0x3FA2] =	sst s3  }
0xc: {  	[smem:$0x3FA3] =	sst s4  }
0xd: {  	[smem:$0x3FA4] =	sst s5  }
0xe: {  	[smem:$0x3FA5] =	sst s6  }
0xf: {  	[smem:$0x3FA6] =	sst s7  }
0x10: {  	[smem:$0x3FA7] =	sst s8  }
0x11: {  	[smem:$0x3FA8] =	sst s9;
	s0 =	simm.s32 @!p0 $0x0  }
0x12: {  	s1 =	sld [smem:$0x3F8E];
	s0 =	simm.s32 @p0 $0x1  }
0x13: {  	[smem:$0x3FA9] =	sst s0;
	s0 =	simm.s32 @!p1 $0x0  }
0x14: {  	s2 =	sld [smem:$0x3F8D];
	s0 =	simm.s32 @p1 $0x1  }
0x15: {  	[smem:$0x3FAA] =	sst s0;
	s0 =	simm.s32 @!p2 $0x0  }
0x16: {  	s3 =	sld [smem:$0x3FDB];
	s0 =	simm.s32 @p2 $0x1  }
0x17: {  	s4 =	simm.s32 $0x1BF5;
	[smem:$0x3FAC] =	sst s0  }
0x18: {  	s0 =	sld [smem:$0x3F8F];
	_ =	swait.ge [sflag:s4], $0x0  }
0x19: {  	s7 =	sld [smem:$0x3F90]  }
0x1a: {  	s8 =	sadd.s32 $0xFFFFE003, lr  }
0x1b: {  	s9 =	sadd.s32 $0xFFFFFEF7, lr;
	s5 =	simm.s32 $0xFFFFFFFF;
	p2 =	slt.u32 s8, $0xFFFFF086  }
0x1c: {  	p1 =	slt.u32 s9, $0xF7A;
	s5 =	simm.s32 @!p2 $0x0  }
0x1d: {  	s5 =	simm.s32 @p1 $0x1;
	p0 =	seq.s32 s7, s2  }
0x1e: {  	s7 =	smul.u32 @!p0 $0xF7A, s2;
	p2 =	seq.s32 @!p0 s5, $0x0  }
0x1f: {  	s9 =	smul.u32 $0xF7A, s1;
	s8 =	simm.s32 @!p0 $0x1BF5;
	p2 =	por !p2, p0  }
0x20: {  	[sflag:s8] =	ssyncset.s32 @!p0 $0xFFFFF086;
	s6 =	sadd.s32 @!p0 s3, s7;
	s7 =	simm.s32 @!p0 $0x108  }
0x21: {  	s3 =	sadd.s32 s3, s9;
	s6 =	sadd.s32 @!p0 $0x88, s6;
	s7 =	simm.s32 @p2 $0x1082  }
0x22: {  	[simem:s7], [sflag:s8] =	dma.local @!p0 [hbm:s6], $0xF7A  }
0x23: {  	s9 =	sor.u32 $0xD0000000, s2;
	s6 =	simm.s32 $0x108;
	_ =	swait.ge @!p0 [sflag:s8], $0x0  }
0x24: {  	s3 =	sadd.s32 $0x88, s3;
	s6 =	simm.s32 @!p1 $0x1082;
	[sflag:s4] =	ssyncset.s32 $0xFFFFF086  }
0x25: {  	[simem:s6], [sflag:s4] =	dma.local [hbm:s3], $0xF7A  }
0x26: {  	[smem:$0x3F90] =	sst s1;
	(tag) =	ssettag s2;
	_ =	strace s9  }
0x27: {  	s1 =	sld [smem:$0x3FA0]  }
0x28: {  	s2 =	sld [smem:$0x3FA1]  }
0x29: {  	s4 =	sld [smem:$0x3FA3]  }
0x2a: {  	p0 =	seq.s32 s5, $0x0;
	s5 =	sld [smem:$0x3FA4]  }
0x2b: {  	s6 =	sld [smem:$0x3FA5]  }
0x2c: {  	s7 =	sld [smem:$0x3FA6]  }
0x2d: {  	s3 =	simm.s32 $0x108;
	s8 =	sld [smem:$0x3FA7]  }
0x2e: {  	s3 =	simm.s32 @!p0 $0x1082;
	s9 =	sld [smem:$0x3FA8]  }
0x2f: {  	lr =	sadd.s32 s0, s3;
	s0 =	sld [smem:$0x3F9F]  }
0x30: {  	s3 =	sld [smem:$0x3FA2]  }
0x31: {  	[smem:$0x3FAB] =	sst s10  }
0x32: {  	s10 =	sld [smem:$0x3FA9];
	_ =	sdelay $0x3  }
0x33: {  	p0 =	seq.s32 s10, $0x1;
	s10 =	sld [smem:$0x3FAB];
	_ =	sdelay $0x3  }
0x34: {  	[smem:$0x3FAB] =	sst s10  }
0x35: {  	s10 =	sld [smem:$0x3FAA];
	_ =	sdelay $0x3  }
0x36: {  	p1 =	seq.s32 s10, $0x1;
	s10 =	sld [smem:$0x3FAB];
	_ =	sdelay $0x3  }
0x37: {  	[smem:$0x3FAB] =	sst s10  }
0x38: {  	s10 =	sld [smem:$0x3FAC]  }
0x39: {  	_ = 	snop;
	(pc) =	sbr.ind lr, $3  }
0x3a: {  	_ = 	snop  }
0x3b: {  	_ = 	snop  }
0x3c: {  	p2 =	seq.s32 s10, $0x1;
	s10 =	sld [smem:$0x3FAB]  }
0x3d: {  	_ =	shalt  }
0x3e: {  	_ =	shalt  }
0x3f: {  	_ =	shalt  }
0x40: {  	_ =	shalt  }
0x41: {  	_ =	shalt  }
0x42: {  	_ =	shalt  }
0x43: {  	_ =	shalt  }
0x44: {  	_ =	shalt  }
0x45: {  	_ =	shalt  }
0x46: {  	_ =	shalt  }
0x47: {  	_ =	shalt  }
0x48: {  	_ =	shalt  }
0x49: {  	_ =	shalt  }
0x4a: {  	_ =	shalt  }
0x4b: {  	_ =	shalt  }
0x4c: {  	_ =	shalt  }
0x4d: {  	_ =	shalt  }
0x4e: {  	_ =	shalt  }
0x4f: {  	_ =	shalt  }
0x50: {  	_ =	shalt  }
0x51: {  	_ =	shalt  }
0x52: {  	_ =	shalt  }
0x53: {  	_ =	shalt  }
0x54: {  	_ =	shalt  }
0x55: {  	_ =	shalt  }
0x56: {  	_ =	shalt  }
0x57: {  	_ =	shalt  }
0x58: {  	_ =	shalt  }
0x59: {  	_ =	shalt  }
0x5a: {  	_ =	shalt  }
0x5b: {  	_ =	shalt  }
0x5c: {  	_ =	shalt  }
0x5d: {  	_ =	shalt  }
0x5e: {  	_ =	shalt  }
0x5f: {  	_ =	shalt  }
0x60: {  	_ =	shalt  }
0x61: {  	_ =	shalt  }
0x62: {  	_ =	shalt  }
0x63: {  	_ =	shalt  }
0x64: {  	_ =	shalt  }
0x65: {  	_ =	shalt  }
0x66: {  	_ =	shalt  }
0x67: {  	_ =	shalt  }
0x68: {  	_ =	shalt  }
0x69: {  	_ =	shalt  }
0x6a: {  	_ =	shalt  }
0x6b: {  	_ =	shalt  }
0x6c: {  	_ =	shalt  }
0x6d: {  	_ =	shalt  }
0x6e: {  	_ =	shalt  }
0x6f: {  	_ =	shalt  }
0x70: {  	_ =	shalt  }
0x71: {  	_ =	shalt  }
0x72: {  	_ =	shalt  }
0x73: {  	_ =	shalt  }
0x74: {  	_ =	shalt  }
0x75: {  	_ =	shalt  }
0x76: {  	_ =	shalt  }
0x77: {  	_ =	shalt  }
0x78: {  	_ =	shalt  }
0x79: {  	_ =	shalt  }
0x7a: {  	_ =	shalt  }
0x7b: {  	_ =	shalt  }
0x7c: {  	_ =	shalt  }
0x7d: {  	_ =	shalt  }
0x7e: {  	_ =	shalt  }
0x7f: {  	_ =	shalt  }
0x80: {  	_ =	shalt  }
0x81: {  	_ =	shalt  }
0x82: {  	_ =	shalt  }
0x83: {  	_ =	shalt  }
0x84: {  	_ =	shalt  }
0x85: {  	_ =	shalt  }
0x86: {  	_ =	shalt  }
0x87: {  	_ =	shalt  }
.Lfunc_end0:
.L_simem_size_0:
called_computation.1_lowered:
.L_overlay_start_0:
0x88: {  	s2 =	sld [smem:$0x3FD9]  }
0x89: {  	s3 =	sld [smem:$0x3FFE];
	_ =	sdelay $0x1  }
0x8a: {  	s1 =	srdreg.scid  }
0x8b: {  	s0 =	sand.u32 $0x1, s1  }
0x8c: {  	s16 =	sshll.u32 s0, $0xA;
	s2 =	sadd.s32 s3, s2  }
0x8d: {  	s2 =	sadd.s32 s2, s16  }
0x8e: {  	[smem:$0x3FB7] =	sst s2  }
0x8f: {  	_ = 	snop  }
0x90: {  	(tm) =	ssettm $0x1  }
0x91: {  	s17 =	sld [smem:$0x3FFB];
	_ =	sdelay $0x3  }
0x92: {  	_ =	strace s17  }
0x93: {  	s2 =	sld [smem:$0x3FFC];
	_ =	sdelay $0x3  }
0x94: {  	_ =	strace s2  }
0x95: {  	s2 =	sld [smem:$0x3FFD];
	_ =	sdelay $0x3  }
0x96: {  	_ =	strace s2  }
0x97: {  	_ =	strace $0x8FFFFFFF  }
0x98: {  	s18 =	sld [smem:$0x3FDB];
	_ =	sdelay $0x1  }
0x99: {  	s19 =	simm.s32 $_scs_section_size  }
0x9a: {  	s4 =	simm.s32 $_size__tile_overlayer_lowered;
	s5 =	simm.s32 $_tile_overlayer_lowered  }
0x9b: {  	s22 =	simm.s32 $0x1BFF;
	s21 =	sshll.u32 s5, $0x1;
	s2 =	sadd.s32 s19, s18  }
0x9c: {  	s6 =	simm.s32 $0x0;
	s20 =	sshll.u32 s4, $0x1;
	s4 =	sadd.s32 s21, s2  }
0x9d: {  	[timem:s6], [sflag:s22] =	dma.local [hbm:s4], s20  }
0x9e: {  	_ =	swait.ge [sflag:s22], s20  }
0x9f: {  	s3 =	ssub.s32 $0x0, s20;
	[sflag:s22] =	ssyncset.done $0x0  }
0xa0: {  	[sflag:s22] =	ssyncadd.s32 s3;
	_ =	sdelay $0x1  }
0xa1: {  	s23 =	simm.s32 $0x1B8B  }
0xa2: {  	_ =	swait.ge [sflag:s23], $0x1  }
0xa3: {  	[sflag:s23] =	ssyncset.done $0x0  }
0xa4: {  	s25 =	simm.s32 $0x1B8E;
	s24 =	sld [smem:$0x3FFE];
	[sflag:s23] =	ssyncadd.s32 $0xFFFFFFFF  }
0xa5: {  	s26 =	simm.s32 $execute0_lowered;
	[smem:$0x3FD2] =	sst s25  }
0xa6: {  	s4 =	sshll.u32 s26, $0x1;
	_ =	strace $0x80000049;
	[dreg:$0x1] =	wrdreg $0xFFFFFFFF  }
0xa7: {  	s28 =	simm.s32 $_size_execute0_lowered;
	s2 =	sadd.s32 s2, s4;
	[dreg:$0x0] =	wrdreg $0x0  }
0xa8: {  	s4 =	sshll.u32 s28, $0x1;
	[dreg:$0x2] =	wrdreg s2  }
0xa9: {  	[dreg:$0x3] =	wrdreg s4  }
0xaa: {  	[dreg:$0x4] =	wrdreg $0xC0  }
0xab: {  	_ =	task [dreg:s6], $0x5FFFF  }
0xac: {  	[dreg:$0x1] =	wrdreg $0xFFFFFFFF  }
0xad: {  	[dreg:$0x0] =	wrdreg $0x60  }
0xae: {  	[dreg:$0x2] =	wrdreg s24  }
0xaf: {  	[dreg:$0x3] =	wrdreg $0x9  }
0xb0: {  	_ =	task.clear_ibuf [dreg:s6], $0x4FFFF;
	_ =	strace $0x90000049  }
0xb1: {  	s29 =	simm.s32 $0x9;
	_ =	strace $0x8000004B  }
0xb2: {  	_ =	swait.ge [sflag:s29], $0x1  }
0xb3: {  	[sflag:s29] =	ssyncadd.s32 $0xFFFFFFFF  }
0xb4: {  	_ =	strace $0x9000004B  }
0xb5: {  	_ =	sfence  }
0xb6: {  	s30 =	sld [smem:$0x0];
	_ =	sdelay $0x2  }
0xb7: {  	s31 =	sshll.u32 s1, $0xD;
	s1 =	sshrl.u32 s1, $0x2  }
0xb8: {  	s3 =	sand.u32 $0x4000, s31;
	s1 =	sadd.s32 s1, s30  }
0xb9: {  	s0 =	sor.u32 s3, s0;
	s1 =	sshll.u32 s1, $0x11  }
0xba: {  	s0 =	sor.u32 s1, s0  }
0xbb: {  	s0 =	sadd.s32 $0x8F2B, s0  }
0xbc: {  	[sflag:s0] =	ssyncadd.remote.s32 $0x1  }
0xbd: {  	_ =	sfence.sel $0xFFFF  }
0xbe: {  	[dreg:$0x0] =	wrdreg $0xFFFFFFFF;
	(pc) =	sbr.abs _section_cstart, $3  }
0xbf: {  	[dreg:$0x1] =	wrdreg $0xFFFFFFFF  }
0xc0: {  	_ =	task.clear_ibuf [dreg:s6], $0x2FFFF;
	_ =	strace $0x9FFFFFFF  }
0xc1: {  	(tm) =	ssettm $0x7FFFFFFF  }
tec
execute0_lowered:
.L_overlay_start_1:
0x0: {  	(tag) =	ssettag $0x1  }
0x1: {  	s1 =	srdreg.scid  }
0x2: {  	s0 =	stileid.u32;
	s23 =	sand.u32 $0x1, s1  }
0x3: {  	s3 =	sshll.u32 s0, $0xA;
	s4 =	sshll.u32 s23, $0x9  }
0x4: {  	s14 =	rddreg [dreg:$0x0];
	s2 =	simm.s32 $0x0;
	s15 =	sor.u32 s4, s3  }
0x5: {  	[smem:$0x7FF] =	sst s2;
	s3 =	sshrl.u32 s15, $0x3  }
0x6: {  	s1 =	rddreg [dreg:$0x1];
	_ =	strace $0x8000004A;
	s3 =	sadd.s32 s3, s14  }
0x7: {  	s4 =	simm.s32 $0x9;
	s3 =	sadd.s32 $0x2B0400, s3  }
0x8: {  	[tilespmem:s2], [sflag:$0x9] =	stream.linear.gather [hbm4b:s3+s2], $0x200, $0x38;
	[tilespmem:$0x10200] =	vst v63  }
0x9: {  	_ =	swait.ge [sflag:s4], $0x200  }
0xa: {  	s6 =	simm.s32 $0x80;
	[sflag:s4] =	ssyncset.done $0x0  }
0xb: {  	s7 =	simm.s32 $0x200;
	s5 =	sadd.s32 $0x3400, s14;
	[sflag:s4] =	ssyncadd.s32 $0xFFFFFE00  }
0xc: {  	[tilespmem:s7], [sflag:$0x1] =	stream.indirect.gather [hbm4b:s5+s6], $0x80, s2, s6, $0xb8;
	[tilespmem:$0x10200] =	vst v63  }
0xd: {  	s8 =	simm.s32 $0x4200  }
0xe: {  	[tilespmem:s8], [sflag:$0x2] =	stream.indirect.gather [hbm4b:s5+s6], $0x80, s6, s6, $0xb8;
	[tilespmem:$0x10200] =	vst v63  }
0xf: {  	s9 =	simm.s32 $0x100;
	s10 =	simm.s32 $0x8200  }
0x10: {  	[tilespmem:s10], [sflag:$0x3] =	stream.indirect.gather [hbm4b:s5+s6], $0x80, s9, s6, $0xb8;
	[tilespmem:$0x10200] =	vst v63  }
0x11: {  	s11 =	simm.s32 $0x180;
	s12 =	simm.s32 $0xC200;
	s13 =	simm.s32 $0x1  }
0x12: {  	[tilespmem:s12], [sflag:$0x4] =	stream.indirect.gather [hbm4b:s5+s6], $0x80, s11, s6, $0xb8;
	[tilespmem:$0x10200] =	vst v63  }
0x13: {  	s15 =	sshll.u32 s15, $0x4;
	_ =	swait.ge [sflag:s13], $0x4000  }
0x14: {  	s20 =	sadd.s32 s15, s14;
	[sflag:s13] =	ssyncset.done $0x0  }
0x15: {  	s15 =	simm.s32 $0x2;
	s14 =	sadd.s32 $0x2B400, s20;
	[sflag:s13] =	ssyncadd.s32 $0xFFFFC000  }
0x16: {  	[hbm4b:s14+s2] =	stream.linear.scatter [tilespmem:s7], [sflag:$0x5], $0x4000, $0x38;
	[tilespmem:$0x10200] =	vst v63  }
0x17: {  	_ =	swait.ge [sflag:s15], $0x4000  }
0x18: {  	[sflag:s15] =	ssyncset.done $0x0  }
0x19: {  	s17 =	simm.s32 $0x3;
	s16 =	sadd.s32 $0x2BC00, s20;
	[sflag:s15] =	ssyncadd.s32 $0xFFFFC000  }
0x1a: {  	[hbm4b:s16+s2] =	stream.linear.scatter [tilespmem:s8], [sflag:$0x6], $0x4000, $0x38;
	[tilespmem:$0x10200] =	vst v63  }
0x1b: {  	_ =	swait.ge [sflag:s17], $0x4000  }
0x1c: {  	[sflag:s17] =	ssyncset.done $0x0  }
0x1d: {  	s19 =	simm.s32 $0x4;
	s18 =	sadd.s32 $0x2C400, s20;
	[sflag:s17] =	ssyncadd.s32 $0xFFFFC000  }
0x1e: {  	[hbm4b:s18+s2] =	stream.linear.scatter [tilespmem:s10], [sflag:$0x7], $0x4000, $0x38;
	[tilespmem:$0x10200] =	vst v63  }
0x1f: {  	_ =	swait.ge [sflag:s19], $0x4000  }
0x20: {  	[sflag:s19] =	ssyncset.done $0x0  }
0x21: {  	s21 =	simm.s32 $0x5;
	s20 =	sadd.s32 $0x2CC00, s20;
	[sflag:s19] =	ssyncadd.s32 $0xFFFFC000  }
0x22: {  	[hbm4b:s20+s2] =	stream.linear.scatter [tilespmem:s12], [sflag:$0x8], $0x4000, $0x38;
	[tilespmem:$0x10200] =	vst v63  }
0x23: {  	_ =	swait.ge [sflag:s21], $0x4000  }
0x24: {  	s24 =	ssub.s32 $0x2, s23;
	[sflag:s21] =	ssyncset.done $0x0  }
0x25: {  	s22 =	simm.s32 $0x6;
	s25 =	sshrl.u32 s24, $0x1;
	[sflag:s21] =	ssyncadd.s32 $0xFFFFC000  }
0x26: {  	s24 =	ssub.s32 s24, s25;
	_ =	swait.ge [sflag:s22], $0x4000  }
0x27: {  	s25 =	smax.u32 s24, $0x1;
	[sflag:s22] =	ssyncset.done $0x0  }
0x28: {  	s23 =	simm.s32 $0x7;
	p0 =	sne.s32 s25, $0x1;
	[sflag:s22] =	ssyncadd.s32 $0xFFFFC000  }
.Ltmp0:
0x29: {  	_ =	swait.ge [sflag:s23], $0x4000;
	(pc) =	sbr.rel @!p0 .LBB2_2-.Ltmp0, $4  }
0x2a: {  	[sflag:s23] =	ssyncset.done $0x0  }
0x2b: {  	s24 =	simm.s32 $0x8;
	[sflag:s23] =	ssyncadd.s32 $0xFFFFC000  }
0x2c: {  	_ =	swait.ge [sflag:s24], $0x4000  }
0x2d: {  	s25 =	sadd.s32 $0xFFFFFFFF, s25;
	[sflag:s24] =	ssyncset.done $0x0  }
.LBB2_1:
0x2e: {  	p0 =	sne.s32 s25, $0x1;
	s25 =	sadd.s32 $0xFFFFFFFF, s25;
	[sflag:s24] =	ssyncadd.s32 $0xFFFFC000  }
0x2f: {  	[tilespmem:s2], [sflag:$0x9] =	stream.linear.gather [hbm4b:s3+s2], $0x200, $0x38;
	[tilespmem:$0x10200] =	vst v63  }
0x30: {  	_ =	swait.ge [sflag:s4], $0x200  }
0x31: {  	[sflag:s4] =	ssyncset.done $0x0  }
0x32: {  	[sflag:s4] =	ssyncadd.s32 $0xFFFFFE00  }
0x33: {  	[tilespmem:s7], [sflag:$0x1] =	stream.indirect.gather [hbm4b:s5+s6], $0x80, s2, s6, $0xb8;
	[tilespmem:$0x10200] =	vst v63  }
0x34: {  	_ = 	snop  }
0x35: {  	[tilespmem:s8], [sflag:$0x2] =	stream.indirect.gather [hbm4b:s5+s6], $0x80, s6, s6, $0xb8;
	[tilespmem:$0x10200] =	vst v63  }
0x36: {  	_ = 	snop  }
0x37: {  	[tilespmem:s10], [sflag:$0x3] =	stream.indirect.gather [hbm4b:s5+s6], $0x80, s9, s6, $0xb8;
	[tilespmem:$0x10200] =	vst v63  }
0x38: {  	_ = 	snop  }
0x39: {  	[tilespmem:s12], [sflag:$0x4] =	stream.indirect.gather [hbm4b:s5+s6], $0x80, s11, s6, $0xb8;
	[tilespmem:$0x10200] =	vst v63  }
0x3a: {  	_ =	swait.ge [sflag:s13], $0x4000  }
0x3b: {  	[sflag:s13] =	ssyncset.done $0x0  }
0x3c: {  	[sflag:s13] =	ssyncadd.s32 $0xFFFFC000  }
0x3d: {  	[hbm4b:s14+s2] =	stream.linear.scatter [tilespmem:s7], [sflag:$0x5], $0x4000, $0x38;
	[tilespmem:$0x10200] =	vst v63  }
0x3e: {  	_ =	swait.ge [sflag:s15], $0x4000  }
0x3f: {  	[sflag:s15] =	ssyncset.done $0x0  }
0x40: {  	[sflag:s15] =	ssyncadd.s32 $0xFFFFC000  }
0x41: {  	[hbm4b:s16+s2] =	stream.linear.scatter [tilespmem:s8], [sflag:$0x6], $0x4000, $0x38;
	[tilespmem:$0x10200] =	vst v63  }
0x42: {  	_ =	swait.ge [sflag:s17], $0x4000  }
0x43: {  	[sflag:s17] =	ssyncset.done $0x0  }
0x44: {  	[sflag:s17] =	ssyncadd.s32 $0xFFFFC000  }
0x45: {  	[hbm4b:s18+s2] =	stream.linear.scatter [tilespmem:s10], [sflag:$0x7], $0x4000, $0x38;
	[tilespmem:$0x10200] =	vst v63  }
0x46: {  	_ =	swait.ge [sflag:s19], $0x4000  }
0x47: {  	[sflag:s19] =	ssyncset.done $0x0  }
0x48: {  	[sflag:s19] =	ssyncadd.s32 $0xFFFFC000  }
0x49: {  	[hbm4b:s20+s2] =	stream.linear.scatter [tilespmem:s12], [sflag:$0x8], $0x4000, $0x38;
	[tilespmem:$0x10200] =	vst v63  }
0x4a: {  	_ =	swait.ge [sflag:s21], $0x4000  }
0x4b: {  	[sflag:s21] =	ssyncset.done $0x0  }
0x4c: {  	[sflag:s21] =	ssyncadd.s32 $0xFFFFC000  }
0x4d: {  	_ =	swait.ge [sflag:s22], $0x4000  }
0x4e: {  	[sflag:s22] =	ssyncset.done $0x0  }
0x4f: {  	[sflag:s22] =	ssyncadd.s32 $0xFFFFC000  }
.Ltmp1:
0x50: {  	_ =	swait.ge [sflag:s23], $0x4000;
	(pc) =	sbr.rel @p0 .LBB2_1-.Ltmp1, $4  }
0x51: {  	[sflag:s23] =	ssyncset.done $0x0  }
0x52: {  	[sflag:s23] =	ssyncadd.s32 $0xFFFFC000  }
0x53: {  	_ =	swait.ge [sflag:s24], $0x4000  }
0x54: {  	[sflag:s24] =	ssyncset.done $0x0  }
.LBB2_2:
0x55: {  	[sflag:s24] =	ssyncadd.s32 $0xFFFFC000  }
0x56: {  	_ =	sfence.sel $0x180000  }
0x57: {  	[bflag:$0x0] =	sbarrier.arrive $0xFFFF  }
0x58: {  	p0 =	sne.s32 s0, $0x0;
	_ =	strace $0x9000004A  }
0x59: {  	s0 =	sadd.s32 @!p0 $0x100000, s1;
	[bflag:$0x2] =	sbarrier.arrive $0xFFFF  }
0x5a: {  	[sflag:s0] =	ssyncadd.tile.s32 @!p0 $0x1;
	_ =	shalt  }
.Lfunc_end2:
_tile_overlayer_lowered:
.L_overlay_start_2:
0x5b: {  	(tag) =	ssettag $0x2  }
0x5c: {  	s0 =	rddreg [dreg:$0x0];
	s2 =	stileid.u32  }
0x5d: {  	s1 =	rddreg [dreg:$0x1];
	p0 =	sne.s32 s2, $0x0  }
0x5e: {  	s3 =	rddreg [dreg:$0x2];
	[bflag:$0x3] =	sbarrier.arrive $0xFFFF;
	s2 =	simm.s32 @!p0 $0x1C09  }
0x5f: {  	[timem:s3], [sflag:s2] =	dma.local @!p0 [hbm:s0], s1  }
0x60: {  	s0 =	simm.s32 @!p0 $0x9  }
0x61: {  	_ =	swait.ge @!p0 [sflag:s0], s1  }
0x62: {  	s1 =	ssub.s32 @!p0 $0x0, s1;
	[sflag:s0] =	ssyncset.done @!p0 $0x0  }
0x63: {  	[sflag:s0] =	ssyncadd.s32 @!p0 s1  }
0x64: {  	[bflag:$0x3] =	sbarrier.arrive $0xFFFF  }
0x65: {  	_ =	shalt  }

</sc_bundles>
